<compile_context>
chip_gen: v7x
topology: tpu7x:2x2x1
jax: 0.10.2.dev20260603
libtpu: 0.0.44.dev20260713+nightly
codegen_flags: <defaults>
</compile_context>

<pallas_src>
import functools

import jax
import jax.numpy as jnp
from jax import lax
from jax.experimental import pallas as pl
from jax.experimental.pallas import tpu as pltpu
from jax.experimental.pallas import tpu_sc as plsc

D = 64
NC, NS = 2, 16
NW = NC * NS
CH = 128
NCH = 50
PW = NCH * CH
B = NW * PW
R = 10
AH = 5

_mesh = plsc.VectorSubcoreMesh(core_axis_name="c", subcore_axis_name="s")


@functools.partial(
    pl.kernel,
    out_type=jax.ShapeDtypeStruct((B, D), jnp.float32),
    mesh=_mesh,
    scratch_types=(
        [pltpu.VMEM((PW,), jnp.int32), pltpu.VMEM((R, CH, D), jnp.float32)]
        + [pltpu.SemaphoreType.DMA] * (2 * R)
    ),
    compiler_params=pltpu.CompilerParams(use_tc_tiling_on_sc=False),
)
def _lookup(tok_hbm, table_hbm, out_hbm, idx_v, rows_v, *sems):
    gsem, wsem = sems[:R], sems[R:]
    wid = lax.axis_index("s") * NC + lax.axis_index("c")
    base = wid * PW
    pltpu.sync_copy(tok_hbm.at[pl.ds(base, PW)], idx_v)

    for b in range(AH):
        pltpu.async_copy(
            table_hbm.at[idx_v.at[pl.ds(b * CH, CH)]], rows_v.at[b], gsem[b]
        )

    @pl.loop(0, NCH, step=R)
    def _group(g):
        for b in range(R):
            j = g + b
            pltpu.make_async_copy(
                table_hbm.at[pl.ds(0, CH)], rows_v.at[b], gsem[b]
            ).wait()
            pltpu.async_copy(
                rows_v.at[b], out_hbm.at[pl.ds(base + j * CH, CH)], wsem[b]
            )
            nb = (b + AH) % R
            nxt = j + AH

            @pl.when(nxt < NCH)
            def _fire():
                @pl.when(nxt - R >= 0)
                def _drain_old_write():
                    pltpu.make_async_copy(
                        rows_v.at[nb], out_hbm.at[pl.ds(base, CH)], wsem[nb]
                    ).wait()

                pltpu.async_copy(
                    table_hbm.at[idx_v.at[pl.ds(nxt * CH, CH)]],
                    rows_v.at[nb],
                    gsem[nb],
                )

    for b in range(R):
        pltpu.make_async_copy(
            rows_v.at[b], out_hbm.at[pl.ds(base, CH)], wsem[b]
        ).wait()


def kernel(tokens, table):
    s0, s1 = tokens.shape
    tok = tokens.reshape(B).astype(jnp.int32)
    out = _lookup(tok, table)
    return out.reshape(s0, s1, D)

# --- scband reference (transcript-rebuilt; emitter-appended) ---
"""Pipeline reference for scband-lookup-embedding-18700287607350 (READ-ONLY COPY).

The authoritative reference and input builder live on the scoring server;
editing this copy changes nothing except your own understanding.
"""

import jax, jax.numpy as jnp
import numpy as np

VOCAB = 1000000
DIM = 64

def setup_inputs(seed: int = 0) -> dict:
    key = jax.random.key(seed)
    k1, k2 = jax.random.split(key)
    tokens = jax.random.randint(k1, (4096, 50), 0, VOCAB, dtype=jnp.int64)
    table = jax.random.normal(k2, (VOCAB, DIM), dtype=jnp.float32)
    return {"tokens": tokens, "table": table}

def reference(tokens, table):
    # LookupEmbedding.forward: nn.Embedding lookup
    return jnp.take(table, tokens, axis=0)

if __name__ == "__main__":
    import jax
    _d = setup_inputs()
    print(jax.jit(kernel)(*tuple(_d.values())))

</pallas_src>

<mosaic_0001>
#map = affine_map<(d0, d1) -> (0)>
#map1 = affine_map<(d0, d1) -> (0, 0)>
module attributes {stable_mosaic.version = 14 : i64} {
  func.func @_lookup(%arg0: i32, %arg1: i32, %arg2: memref<204800xi32, #tpu.memory_space<hbm>>, %arg3: memref<1000000x64xf32, #tpu.memory_space<hbm>>, %arg4: memref<204800x64xf32, #tpu.memory_space<hbm>>, %arg5: memref<6400xi32, #tpu.memory_space<vmem>>, %arg6: memref<10x128x64xf32, #tpu.memory_space<vmem>>, %arg7: memref<!tpu.dma_semaphore, #tpu.memory_space<semaphore_mem>>, %arg8: memref<!tpu.dma_semaphore, #tpu.memory_space<semaphore_mem>>, %arg9: memref<!tpu.dma_semaphore, #tpu.memory_space<semaphore_mem>>, %arg10: memref<!tpu.dma_semaphore, #tpu.memory_space<semaphore_mem>>, %arg11: memref<!tpu.dma_semaphore, #tpu.memory_space<semaphore_mem>>, %arg12: memref<!tpu.dma_semaphore, #tpu.memory_space<semaphore_mem>>, %arg13: memref<!tpu.dma_semaphore, #tpu.memory_space<semaphore_mem>>, %arg14: memref<!tpu.dma_semaphore, #tpu.memory_space<semaphore_mem>>, %arg15: memref<!tpu.dma_semaphore, #tpu.memory_space<semaphore_mem>>, %arg16: memref<!tpu.dma_semaphore, #tpu.memory_space<semaphore_mem>>, %arg17: memref<!tpu.dma_semaphore, #tpu.memory_space<semaphore_mem>>, %arg18: memref<!tpu.dma_semaphore, #tpu.memory_space<semaphore_mem>>, %arg19: memref<!tpu.dma_semaphore, #tpu.memory_space<semaphore_mem>>, %arg20: memref<!tpu.dma_semaphore, #tpu.memory_space<semaphore_mem>>, %arg21: memref<!tpu.dma_semaphore, #tpu.memory_space<semaphore_mem>>, %arg22: memref<!tpu.dma_semaphore, #tpu.memory_space<semaphore_mem>>, %arg23: memref<!tpu.dma_semaphore, #tpu.memory_space<semaphore_mem>>, %arg24: memref<!tpu.dma_semaphore, #tpu.memory_space<semaphore_mem>>, %arg25: memref<!tpu.dma_semaphore, #tpu.memory_space<semaphore_mem>>, %arg26: memref<!tpu.dma_semaphore, #tpu.memory_space<semaphore_mem>>) attributes {dimension_semantics = [#tpu.dimension_semantics<core_parallel>, #tpu.dimension_semantics<subcore_parallel>], iteration_bounds = array<i64: 2, 16>, scalar_prefetch = 0 : i64, scratch_operands = 22 : i64, tpu.core_type = #tpu.core_type<sc_vector_subcore>, window_params = [{transform_indices = #map}, {transform_indices = #map1}, {transform_indices = #map1}]} {
    %mul3A = arith.constant 2 : i32
    %mul3A_0 = arith.muli %arg1, %mul3A : i32
    %add3A = arith.addi %mul3A_0, %arg0 : i32
    %mul3A_1 = arith.constant 6400 : i32
    %mul3A_2 = arith.muli %add3A, %mul3A_1 : i32
    "tpu.region"() ({
      %run_scoped3A = tpu.sem_alloc : memref<!tpu.dma_semaphore, #tpu.memory_space<semaphore_mem>>
      %dma_start3A_185 = tpu.memref_slice %arg2[%mul3A_2] : memref<204800xi32, #tpu.memory_space<hbm>> -> memref<6400xi32, #tpu.memory_space<hbm>>
      %dma_start3A_186 = tpu.memref_slice %arg2[%mul3A_2] : memref<204800xi32, #tpu.memory_space<hbm>> -> memref<6400xi32, #tpu.memory_space<hbm>>
      tpu.enqueue_dma source(%dma_start3A_186 : memref<6400xi32, #tpu.memory_space<hbm>>) target(%arg5 : memref<6400xi32, #tpu.memory_space<vmem>>) target_semaphore(%run_scoped3A : memref<!tpu.dma_semaphore, #tpu.memory_space<semaphore_mem>>)
      %dma_wait3A_187 = tpu.memref_slice %arg2[%mul3A_2] : memref<204800xi32, #tpu.memory_space<hbm>> -> memref<6400xi32, #tpu.memory_space<hbm>>
      %dma_wait3A_188 = tpu.memref_slice %arg2[%mul3A_2] : memref<204800xi32, #tpu.memory_space<hbm>> -> memref<6400xi32, #tpu.memory_space<hbm>>
      tpu.wait_dma2 semaphore(%run_scoped3A : memref<!tpu.dma_semaphore, #tpu.memory_space<semaphore_mem>>) src(%dma_wait3A_188 : memref<6400xi32, #tpu.memory_space<hbm>>) dst(%arg5 : memref<6400xi32, #tpu.memory_space<vmem>>)
      tpu.yield
    }) : () -> ()
    %dma_start3A = arith.constant 0 : i32
    %dma_start3A_3 = arith.constant 0 : i32
    %dma_start3A_4 = arith.constant 0 : i32
    %dma_start3A_5 = tpu.memref_slice %arg6[%dma_start3A, %dma_start3A_3, %dma_start3A_4] : memref<10x128x64xf32, #tpu.memory_space<vmem>> -> memref<1x128x64xf32, #tpu.memory_space<vmem>>
    %dma_start3A_6 = tpu.memref_squeeze %dma_start3A_5 : memref<1x128x64xf32, #tpu.memory_space<vmem>> -> memref<128x64xf32, #tpu.memory_space<vmem>>
    %dma_start3A_7 = arith.constant 0 : i32
    %dma_start3A_8 = tpu.memref_slice %arg5[%dma_start3A_7] : memref<6400xi32, #tpu.memory_space<vmem>> -> memref<128xi32, #tpu.memory_space<vmem>>
    %dma_start3A_9 = arith.constant 0 : i32
    %dma_start3A_10 = arith.constant 0 : i32
    %dma_start3A_11 = tpu.memref_slice %arg3[%dma_start3A_9, %dma_start3A_10] : memref<1000000x64xf32, #tpu.memory_space<hbm>> -> memref<1000000x64xf32, #tpu.memory_space<hbm>>
    tpu.enqueue_indirect_dma source(%dma_start3A_11 : memref<1000000x64xf32, #tpu.memory_space<hbm>>) target(%dma_start3A_6 : memref<128x64xf32, #tpu.memory_space<vmem>>) offsets(%dma_start3A_8 : memref<128xi32, #tpu.memory_space<vmem>>) semaphore(%arg7 : memref<!tpu.dma_semaphore, #tpu.memory_space<semaphore_mem>>)
    %dma_start3A_12 = arith.constant 1 : i32
    %dma_start3A_13 = arith.constant 0 : i32
    %dma_start3A_14 = arith.constant 0 : i32
    %dma_start3A_15 = tpu.memref_slice %arg6[%dma_start3A_12, %dma_start3A_13, %dma_start3A_14] : memref<10x128x64xf32, #tpu.memory_space<vmem>> -> memref<1x128x64xf32, #tpu.memory_space<vmem>>
    %dma_start3A_16 = tpu.memref_squeeze %dma_start3A_15 : memref<1x128x64xf32, #tpu.memory_space<vmem>> -> memref<128x64xf32, #tpu.memory_space<vmem>>
    %dma_start3A_17 = arith.constant 128 : i32
    %dma_start3A_18 = tpu.memref_slice %arg5[%dma_start3A_17] : memref<6400xi32, #tpu.memory_space<vmem>> -> memref<128xi32, #tpu.memory_space<vmem>>
    %dma_start3A_19 = arith.constant 0 : i32
    %dma_start3A_20 = arith.constant 0 : i32
    %dma_start3A_21 = tpu.memref_slice %arg3[%dma_start3A_19, %dma_start3A_20] : memref<1000000x64xf32, #tpu.memory_space<hbm>> -> memref<1000000x64xf32, #tpu.memory_space<hbm>>
    tpu.enqueue_indirect_dma source(%dma_start3A_21 : memref<1000000x64xf32, #tpu.memory_space<hbm>>) target(%dma_start3A_16 : memref<128x64xf32, #tpu.memory_space<vmem>>) offsets(%dma_start3A_18 : memref<128xi32, #tpu.memory_space<vmem>>) semaphore(%arg8 : memref<!tpu.dma_semaphore, #tpu.memory_space<semaphore_mem>>)
    %dma_start3A_22 = arith.constant 2 : i32
    %dma_start3A_23 = arith.constant 0 : i32
    %dma_start3A_24 = arith.constant 0 : i32
    %dma_start3A_25 = tpu.memref_slice %arg6[%dma_start3A_22, %dma_start3A_23, %dma_start3A_24] : memref<10x128x64xf32, #tpu.memory_space<vmem>> -> memref<1x128x64xf32, #tpu.memory_space<vmem>>
    %dma_start3A_26 = tpu.memref_squeeze %dma_start3A_25 : memref<1x128x64xf32, #tpu.memory_space<vmem>> -> memref<128x64xf32, #tpu.memory_space<vmem>>
    %dma_start3A_27 = arith.constant 256 : i32
    %dma_start3A_28 = tpu.memref_slice %arg5[%dma_start3A_27] : memref<6400xi32, #tpu.memory_space<vmem>> -> memref<128xi32, #tpu.memory_space<vmem>>
    %dma_start3A_29 = arith.constant 0 : i32
    %dma_start3A_30 = arith.constant 0 : i32
    %dma_start3A_31 = tpu.memref_slice %arg3[%dma_start3A_29, %dma_start3A_30] : memref<1000000x64xf32, #tpu.memory_space<hbm>> -> memref<1000000x64xf32, #tpu.memory_space<hbm>>
    tpu.enqueue_indirect_dma source(%dma_start3A_31 : memref<1000000x64xf32, #tpu.memory_space<hbm>>) target(%dma_start3A_26 : memref<128x64xf32, #tpu.memory_space<vmem>>) offsets(%dma_start3A_28 : memref<128xi32, #tpu.memory_space<vmem>>) semaphore(%arg9 : memref<!tpu.dma_semaphore, #tpu.memory_space<semaphore_mem>>)
    %dma_start3A_32 = arith.constant 3 : i32
    %dma_start3A_33 = arith.constant 0 : i32
    %dma_start3A_34 = arith.constant 0 : i32
    %dma_start3A_35 = tpu.memref_slice %arg6[%dma_start3A_32, %dma_start3A_33, %dma_start3A_34] : memref<10x128x64xf32, #tpu.memory_space<vmem>> -> memref<1x128x64xf32, #tpu.memory_space<vmem>>
    %dma_start3A_36 = tpu.memref_squeeze %dma_start3A_35 : memref<1x128x64xf32, #tpu.memory_space<vmem>> -> memref<128x64xf32, #tpu.memory_space<vmem>>
    %dma_start3A_37 = arith.constant 384 : i32
    %dma_start3A_38 = tpu.memref_slice %arg5[%dma_start3A_37] : memref<6400xi32, #tpu.memory_space<vmem>> -> memref<128xi32, #tpu.memory_space<vmem>>
    %dma_start3A_39 = arith.constant 0 : i32
    %dma_start3A_40 = arith.constant 0 : i32
    %dma_start3A_41 = tpu.memref_slice %arg3[%dma_start3A_39, %dma_start3A_40] : memref<1000000x64xf32, #tpu.memory_space<hbm>> -> memref<1000000x64xf32, #tpu.memory_space<hbm>>
    tpu.enqueue_indirect_dma source(%dma_start3A_41 : memref<1000000x64xf32, #tpu.memory_space<hbm>>) target(%dma_start3A_36 : memref<128x64xf32, #tpu.memory_space<vmem>>) offsets(%dma_start3A_38 : memref<128xi32, #tpu.memory_space<vmem>>) semaphore(%arg10 : memref<!tpu.dma_semaphore, #tpu.memory_space<semaphore_mem>>)
    %dma_start3A_42 = arith.constant 4 : i32
    %dma_start3A_43 = arith.constant 0 : i32
    %dma_start3A_44 = arith.constant 0 : i32
    %dma_start3A_45 = tpu.memref_slice %arg6[%dma_start3A_42, %dma_start3A_43, %dma_start3A_44] : memref<10x128x64xf32, #tpu.memory_space<vmem>> -> memref<1x128x64xf32, #tpu.memory_space<vmem>>
    %dma_start3A_46 = tpu.memref_squeeze %dma_start3A_45 : memref<1x128x64xf32, #tpu.memory_space<vmem>> -> memref<128x64xf32, #tpu.memory_space<vmem>>
    %dma_start3A_47 = arith.constant 512 : i32
    %dma_start3A_48 = tpu.memref_slice %arg5[%dma_start3A_47] : memref<6400xi32, #tpu.memory_space<vmem>> -> memref<128xi32, #tpu.memory_space<vmem>>
    %dma_start3A_49 = arith.constant 0 : i32
    %dma_start3A_50 = arith.constant 0 : i32
    %dma_start3A_51 = tpu.memref_slice %arg3[%dma_start3A_49, %dma_start3A_50] : memref<1000000x64xf32, #tpu.memory_space<hbm>> -> memref<1000000x64xf32, #tpu.memory_space<hbm>>
    tpu.enqueue_indirect_dma source(%dma_start3A_51 : memref<1000000x64xf32, #tpu.memory_space<hbm>>) target(%dma_start3A_46 : memref<128x64xf32, #tpu.memory_space<vmem>>) offsets(%dma_start3A_48 : memref<128xi32, #tpu.memory_space<vmem>>) semaphore(%arg11 : memref<!tpu.dma_semaphore, #tpu.memory_space<semaphore_mem>>)
    %scan3A = arith.constant 0 : i32
    %scan3A_52 = arith.constant 5 : i32
    %scan3A_53 = arith.addi %scan3A, %scan3A_52 : i32
    %scan3A_54 = arith.constant 1 : i32
    scf.for %scan3A_185 = %scan3A to %scan3A_53 step %scan3A_54  : i32 {
      %mul3A_186 = arith.constant 10 : i32
      %mul3A_187 = arith.muli %scan3A_185, %mul3A_186 : i32
      %add3A_188 = arith.constant 0 : i32
      %add3A_189 = arith.addi %add3A_188, %mul3A_187 : i32
      %add3A_190 = arith.constant 0 : i32
      %add3A_191 = arith.addi %add3A_189, %add3A_190 : i32
      %dma_wait3A_192 = arith.constant 0 : i32
      %dma_wait3A_193 = arith.constant 0 : i32
      %dma_wait3A_194 = arith.constant 0 : i32
      %dma_wait3A_195 = tpu.memref_slice %arg6[%dma_wait3A_192, %dma_wait3A_193, %dma_wait3A_194] : memref<10x128x64xf32, #tpu.memory_space<vmem>> -> memref<1x128x64xf32, #tpu.memory_space<vmem>>
      %dma_wait3A_196 = tpu.memref_squeeze %dma_wait3A_195 : memref<1x128x64xf32, #tpu.memory_space<vmem>> -> memref<128x64xf32, #tpu.memory_space<vmem>>
      %dma_wait3A_197 = arith.constant 0 : i32
      %dma_wait3A_198 = arith.constant 0 : i32
      %dma_wait3A_199 = tpu.memref_slice %arg3[%dma_wait3A_197, %dma_wait3A_198] : memref<1000000x64xf32, #tpu.memory_space<hbm>> -> memref<128x64xf32, #tpu.memory_space<hbm>>
      %dma_wait3A_200 = arith.constant 0 : i32
      %dma_wait3A_201 = arith.constant 0 : i32
      %dma_wait3A_202 = tpu.memref_slice %arg6[%dma_wait3A_192, %dma_wait3A_200, %dma_wait3A_201] : memref<10x128x64xf32, #tpu.memory_space<vmem>> -> memref<1x128x64xf32, #tpu.memory_space<vmem>>
      %dma_wait3A_203 = tpu.memref_squeeze %dma_wait3A_202 : memref<1x128x64xf32, #tpu.memory_space<vmem>> -> memref<128x64xf32, #tpu.memory_space<vmem>>
      %dma_wait3A_204 = arith.constant 0 : i32
      %dma_wait3A_205 = arith.constant 0 : i32
      %dma_wait3A_206 = tpu.memref_slice %arg3[%dma_wait3A_204, %dma_wait3A_205] : memref<1000000x64xf32, #tpu.memory_space<hbm>> -> memref<128x64xf32, #tpu.memory_space<hbm>>
      tpu.wait_dma2 semaphore(%arg7 : memref<!tpu.dma_semaphore, #tpu.memory_space<semaphore_mem>>) src(%dma_wait3A_206 : memref<128x64xf32, #tpu.memory_space<hbm>>) dst(%dma_wait3A_203 : memref<128x64xf32, #tpu.memory_space<vmem>>)
      %mul3A_207 = arith.constant 128 : i32
      %mul3A_208 = arith.muli %add3A_191, %mul3A_207 : i32
      %add3A_209 = arith.addi %mul3A_2, %mul3A_208 : i32
      %dma_start3A_210 = arith.constant 0 : i32
      %dma_start3A_211 = arith.constant 0 : i32
      %dma_start3A_212 = arith.constant 0 : i32
      %dma_start3A_213 = tpu.memref_slice %arg6[%dma_start3A_210, %dma_start3A_211, %dma_start3A_212] : memref<10x128x64xf32, #tpu.memory_space<vmem>> -> memref<1x128x64xf32, #tpu.memory_space<vmem>>
      %dma_start3A_214 = tpu.memref_squeeze %dma_start3A_213 : memref<1x128x64xf32, #tpu.memory_space<vmem>> -> memref<128x64xf32, #tpu.memory_space<vmem>>
      %dma_start3A_215 = arith.constant 0 : i32
      %dma_start3A_216 = tpu.memref_slice %arg4[%add3A_209, %dma_start3A_215] : memref<204800x64xf32, #tpu.memory_space<hbm>> -> memref<128x64xf32, #tpu.memory_space<hbm>>
      %dma_start3A_217 = arith.constant 0 : i32
      %dma_start3A_218 = tpu.memref_slice %arg4[%add3A_209, %dma_start3A_217] : memref<204800x64xf32, #tpu.memory_space<hbm>> -> memref<128x64xf32, #tpu.memory_space<hbm>>
      %dma_start3A_219 = arith.constant 0 : i32
      %dma_start3A_220 = arith.constant 0 : i32
      %dma_start3A_221 = tpu.memref_slice %arg6[%dma_start3A_210, %dma_start3A_219, %dma_start3A_220] : memref<10x128x64xf32, #tpu.memory_space<vmem>> -> memref<1x128x64xf32, #tpu.memory_space<vmem>>
      %dma_start3A_222 = tpu.memref_squeeze %dma_start3A_221 : memref<1x128x64xf32, #tpu.memory_space<vmem>> -> memref<128x64xf32, #tpu.memory_space<vmem>>
      tpu.enqueue_dma source(%dma_start3A_222 : memref<128x64xf32, #tpu.memory_space<vmem>>) target(%dma_start3A_218 : memref<128x64xf32, #tpu.memory_space<hbm>>) target_semaphore(%arg17 : memref<!tpu.dma_semaphore, #tpu.memory_space<semaphore_mem>>)
      %add3A_223 = arith.constant 5 : i32
      %add3A_224 = arith.addi %add3A_191, %add3A_223 : i32
      %lt3A = arith.constant 50 : i32
      %lt3A_225 = arith.cmpi slt, %add3A_224, %lt3A : i32
      %convert_element_type3A = arith.extui %lt3A_225 : i1 to i32
      %cond3A = arith.constant 0 : i32
      %cond3A_226 = arith.cmpi ne, %convert_element_type3A, %cond3A : i32
      scf.if %cond3A_226 {
        %sub3A = arith.constant 10 : i32
        %sub3A_587 = arith.subi %add3A_224, %sub3A : i32
        %ge3A = arith.constant 0 : i32
        %ge3A_588 = arith.cmpi sge, %sub3A_587, %ge3A : i32
        %convert_element_type3A_589 = arith.extui %ge3A_588 : i1 to i32
        %cond3A_590 = arith.constant 0 : i32
        %cond3A_591 = arith.cmpi ne, %convert_element_type3A_589, %cond3A_590 : i32
        scf.if %cond3A_591 {
          %dma_wait3A_603 = arith.constant 5 : i32
          %dma_wait3A_604 = arith.constant 0 : i32
          %dma_wait3A_605 = arith.constant 0 : i32
          %dma_wait3A_606 = tpu.memref_slice %arg6[%dma_wait3A_603, %dma_wait3A_604, %dma_wait3A_605] : memref<10x128x64xf32, #tpu.memory_space<vmem>> -> memref<1x128x64xf32, #tpu.memory_space<vmem>>
          %dma_wait3A_607 = tpu.memref_squeeze %dma_wait3A_606 : memref<1x128x64xf32, #tpu.memory_space<vmem>> -> memref<128x64xf32, #tpu.memory_space<vmem>>
          %dma_wait3A_608 = arith.constant 0 : i32
          %dma_wait3A_609 = tpu.memref_slice %arg4[%mul3A_2, %dma_wait3A_608] : memref<204800x64xf32, #tpu.memory_space<hbm>> -> memref<128x64xf32, #tpu.memory_space<hbm>>
          %dma_wait3A_610 = arith.constant 0 : i32
          %dma_wait3A_611 = tpu.memref_slice %arg4[%mul3A_2, %dma_wait3A_610] : memref<204800x64xf32, #tpu.memory_space<hbm>> -> memref<128x64xf32, #tpu.memory_space<hbm>>
          %dma_wait3A_612 = arith.constant 0 : i32
          %dma_wait3A_613 = arith.constant 0 : i32
          %dma_wait3A_614 = tpu.memref_slice %arg6[%dma_wait3A_603, %dma_wait3A_612, %dma_wait3A_613] : memref<10x128x64xf32, #tpu.memory_space<vmem>> -> memref<1x128x64xf32, #tpu.memory_space<vmem>>
          %dma_wait3A_615 = tpu.memref_squeeze %dma_wait3A_614 : memref<1x128x64xf32, #tpu.memory_space<vmem>> -> memref<128x64xf32, #tpu.memory_space<vmem>>
          tpu.wait_dma2 semaphore(%arg22 : memref<!tpu.dma_semaphore, #tpu.memory_space<semaphore_mem>>) src(%dma_wait3A_615 : memref<128x64xf32, #tpu.memory_space<vmem>>) dst(%dma_wait3A_611 : memref<128x64xf32, #tpu.memory_space<hbm>>)
        } else {
        }
        %mul3A_592 = arith.constant 128 : i32
        %mul3A_593 = arith.muli %add3A_224, %mul3A_592 : i32
        %dma_start3A_594 = arith.constant 5 : i32
        %dma_start3A_595 = arith.constant 0 : i32
        %dma_start3A_596 = arith.constant 0 : i32
        %dma_start3A_597 = tpu.memref_slice %arg6[%dma_start3A_594, %dma_start3A_595, %dma_start3A_596] : memref<10x128x64xf32, #tpu.memory_space<vmem>> -> memref<1x128x64xf32, #tpu.memory_space<vmem>>
        %dma_start3A_598 = tpu.memref_squeeze %dma_start3A_597 : memref<1x128x64xf32, #tpu.memory_space<vmem>> -> memref<128x64xf32, #tpu.memory_space<vmem>>
        %dma_start3A_599 = tpu.memref_slice %arg5[%mul3A_593] : memref<6400xi32, #tpu.memory_space<vmem>> -> memref<128xi32, #tpu.memory_space<vmem>>
        %dma_start3A_600 = arith.constant 0 : i32
        %dma_start3A_601 = arith.constant 0 : i32
        %dma_start3A_602 = tpu.memref_slice %arg3[%dma_start3A_600, %dma_start3A_601] : memref<1000000x64xf32, #tpu.memory_space<hbm>> -> memref<1000000x64xf32, #tpu.memory_space<hbm>>
        tpu.enqueue_indirect_dma source(%dma_start3A_602 : memref<1000000x64xf32, #tpu.memory_space<hbm>>) target(%dma_start3A_598 : memref<128x64xf32, #tpu.memory_space<vmem>>) offsets(%dma_start3A_599 : memref<128xi32, #tpu.memory_space<vmem>>) semaphore(%arg12 : memref<!tpu.dma_semaphore, #tpu.memory_space<semaphore_mem>>)
      } else {
      }
      %add3A_227 = arith.constant 1 : i32
      %add3A_228 = arith.addi %add3A_189, %add3A_227 : i32
      %dma_wait3A_229 = arith.constant 1 : i32
      %dma_wait3A_230 = arith.constant 0 : i32
      %dma_wait3A_231 = arith.constant 0 : i32
      %dma_wait3A_232 = tpu.memref_slice %arg6[%dma_wait3A_229, %dma_wait3A_230, %dma_wait3A_231] : memref<10x128x64xf32, #tpu.memory_space<vmem>> -> memref<1x128x64xf32, #tpu.memory_space<vmem>>
      %dma_wait3A_233 = tpu.memref_squeeze %dma_wait3A_232 : memref<1x128x64xf32, #tpu.memory_space<vmem>> -> memref<128x64xf32, #tpu.memory_space<vmem>>
      %dma_wait3A_234 = arith.constant 0 : i32
      %dma_wait3A_235 = arith.constant 0 : i32
      %dma_wait3A_236 = tpu.memref_slice %arg3[%dma_wait3A_234, %dma_wait3A_235] : memref<1000000x64xf32, #tpu.memory_space<hbm>> -> memref<128x64xf32, #tpu.memory_space<hbm>>
      %dma_wait3A_237 = arith.constant 0 : i32
      %dma_wait3A_238 = arith.constant 0 : i32
      %dma_wait3A_239 = tpu.memref_slice %arg6[%dma_wait3A_229, %dma_wait3A_237, %dma_wait3A_238] : memref<10x128x64xf32, #tpu.memory_space<vmem>> -> memref<1x128x64xf32, #tpu.memory_space<vmem>>
      %dma_wait3A_240 = tpu.memref_squeeze %dma_wait3A_239 : memref<1x128x64xf32, #tpu.memory_space<vmem>> -> memref<128x64xf32, #tpu.memory_space<vmem>>
      %dma_wait3A_241 = arith.constant 0 : i32
      %dma_wait3A_242 = arith.constant 0 : i32
      %dma_wait3A_243 = tpu.memref_slice %arg3[%dma_wait3A_241, %dma_wait3A_242] : memref<1000000x64xf32, #tpu.memory_space<hbm>> -> memref<128x64xf32, #tpu.memory_space<hbm>>
      tpu.wait_dma2 semaphore(%arg8 : memref<!tpu.dma_semaphore, #tpu.memory_space<semaphore_mem>>) src(%dma_wait3A_243 : memref<128x64xf32, #tpu.memory_space<hbm>>) dst(%dma_wait3A_240 : memref<128x64xf32, #tpu.memory_space<vmem>>)
      %mul3A_244 = arith.constant 128 : i32
      %mul3A_245 = arith.muli %add3A_228, %mul3A_244 : i32
      %add3A_246 = arith.addi %mul3A_2, %mul3A_245 : i32
      %dma_start3A_247 = arith.constant 1 : i32
      %dma_start3A_248 = arith.constant 0 : i32
      %dma_start3A_249 = arith.constant 0 : i32
      %dma_start3A_250 = tpu.memref_slice %arg6[%dma_start3A_247, %dma_start3A_248, %dma_start3A_249] : memref<10x128x64xf32, #tpu.memory_space<vmem>> -> memref<1x128x64xf32, #tpu.memory_space<vmem>>
      %dma_start3A_251 = tpu.memref_squeeze %dma_start3A_250 : memref<1x128x64xf32, #tpu.memory_space<vmem>> -> memref<128x64xf32, #tpu.memory_space<vmem>>
      %dma_start3A_252 = arith.constant 0 : i32
      %dma_start3A_253 = tpu.memref_slice %arg4[%add3A_246, %dma_start3A_252] : memref<204800x64xf32, #tpu.memory_space<hbm>> -> memref<128x64xf32, #tpu.memory_space<hbm>>
      %dma_start3A_254 = arith.constant 0 : i32
      %dma_start3A_255 = tpu.memref_slice %arg4[%add3A_246, %dma_start3A_254] : memref<204800x64xf32, #tpu.memory_space<hbm>> -> memref<128x64xf32, #tpu.memory_space<hbm>>
      %dma_start3A_256 = arith.constant 0 : i32
      %dma_start3A_257 = arith.constant 0 : i32
      %dma_start3A_258 = tpu.memref_slice %arg6[%dma_start3A_247, %dma_start3A_256, %dma_start3A_257] : memref<10x128x64xf32, #tpu.memory_space<vmem>> -> memref<1x128x64xf32, #tpu.memory_space<vmem>>
      %dma_start3A_259 = tpu.memref_squeeze %dma_start3A_258 : memref<1x128x64xf32, #tpu.memory_space<vmem>> -> memref<128x64xf32, #tpu.memory_space<vmem>>
      tpu.enqueue_dma source(%dma_start3A_259 : memref<128x64xf32, #tpu.memory_space<vmem>>) target(%dma_start3A_255 : memref<128x64xf32, #tpu.memory_space<hbm>>) target_semaphore(%arg18 : memref<!tpu.dma_semaphore, #tpu.memory_space<semaphore_mem>>)
      %add3A_260 = arith.constant 5 : i32
      %add3A_261 = arith.addi %add3A_228, %add3A_260 : i32
      %lt3A_262 = arith.constant 50 : i32
      %lt3A_263 = arith.cmpi slt, %add3A_261, %lt3A_262 : i32
      %convert_element_type3A_264 = arith.extui %lt3A_263 : i1 to i32
      %cond3A_265 = arith.constant 0 : i32
      %cond3A_266 = arith.cmpi ne, %convert_element_type3A_264, %cond3A_265 : i32
      scf.if %cond3A_266 {
        %sub3A = arith.constant 10 : i32
        %sub3A_587 = arith.subi %add3A_261, %sub3A : i32
        %ge3A = arith.constant 0 : i32
        %ge3A_588 = arith.cmpi sge, %sub3A_587, %ge3A : i32
        %convert_element_type3A_589 = arith.extui %ge3A_588 : i1 to i32
        %cond3A_590 = arith.constant 0 : i32
        %cond3A_591 = arith.cmpi ne, %convert_element_type3A_589, %cond3A_590 : i32
        scf.if %cond3A_591 {
          %dma_wait3A_603 = arith.constant 6 : i32
          %dma_wait3A_604 = arith.constant 0 : i32
          %dma_wait3A_605 = arith.constant 0 : i32
          %dma_wait3A_606 = tpu.memref_slice %arg6[%dma_wait3A_603, %dma_wait3A_604, %dma_wait3A_605] : memref<10x128x64xf32, #tpu.memory_space<vmem>> -> memref<1x128x64xf32, #tpu.memory_space<vmem>>
          %dma_wait3A_607 = tpu.memref_squeeze %dma_wait3A_606 : memref<1x128x64xf32, #tpu.memory_space<vmem>> -> memref<128x64xf32, #tpu.memory_space<vmem>>
          %dma_wait3A_608 = arith.constant 0 : i32
          %dma_wait3A_609 = tpu.memref_slice %arg4[%mul3A_2, %dma_wait3A_608] : memref<204800x64xf32, #tpu.memory_space<hbm>> -> memref<128x64xf32, #tpu.memory_space<hbm>>
          %dma_wait3A_610 = arith.constant 0 : i32
          %dma_wait3A_611 = tpu.memref_slice %arg4[%mul3A_2, %dma_wait3A_610] : memref<204800x64xf32, #tpu.memory_space<hbm>> -> memref<128x64xf32, #tpu.memory_space<hbm>>
          %dma_wait3A_612 = arith.constant 0 : i32
          %dma_wait3A_613 = arith.constant 0 : i32
          %dma_wait3A_614 = tpu.memref_slice %arg6[%dma_wait3A_603, %dma_wait3A_612, %dma_wait3A_613] : memref<10x128x64xf32, #tpu.memory_space<vmem>> -> memref<1x128x64xf32, #tpu.memory_space<vmem>>
          %dma_wait3A_615 = tpu.memref_squeeze %dma_wait3A_614 : memref<1x128x64xf32, #tpu.memory_space<vmem>> -> memref<128x64xf32, #tpu.memory_space<vmem>>
          tpu.wait_dma2 semaphore(%arg23 : memref<!tpu.dma_semaphore, #tpu.memory_space<semaphore_mem>>) src(%dma_wait3A_615 : memref<128x64xf32, #tpu.memory_space<vmem>>) dst(%dma_wait3A_611 : memref<128x64xf32, #tpu.memory_space<hbm>>)
        } else {
        }
        %mul3A_592 = arith.constant 128 : i32
        %mul3A_593 = arith.muli %add3A_261, %mul3A_592 : i32
        %dma_start3A_594 = arith.constant 6 : i32
        %dma_start3A_595 = arith.constant 0 : i32
        %dma_start3A_596 = arith.constant 0 : i32
        %dma_start3A_597 = tpu.memref_slice %arg6[%dma_start3A_594, %dma_start3A_595, %dma_start3A_596] : memref<10x128x64xf32, #tpu.memory_space<vmem>> -> memref<1x128x64xf32, #tpu.memory_space<vmem>>
        %dma_start3A_598 = tpu.memref_squeeze %dma_start3A_597 : memref<1x128x64xf32, #tpu.memory_space<vmem>> -> memref<128x64xf32, #tpu.memory_space<vmem>>
        %dma_start3A_599 = tpu.memref_slice %arg5[%mul3A_593] : memref<6400xi32, #tpu.memory_space<vmem>> -> memref<128xi32, #tpu.memory_space<vmem>>
        %dma_start3A_600 = arith.constant 0 : i32
        %dma_start3A_601 = arith.constant 0 : i32
        %dma_start3A_602 = tpu.memref_slice %arg3[%dma_start3A_600, %dma_start3A_601] : memref<1000000x64xf32, #tpu.memory_space<hbm>> -> memref<1000000x64xf32, #tpu.memory_space<hbm>>
        tpu.enqueue_indirect_dma source(%dma_start3A_602 : memref<1000000x64xf32, #tpu.memory_space<hbm>>) target(%dma_start3A_598 : memref<128x64xf32, #tpu.memory_space<vmem>>) offsets(%dma_start3A_599 : memref<128xi32, #tpu.memory_space<vmem>>) semaphore(%arg13 : memref<!tpu.dma_semaphore, #tpu.memory_space<semaphore_mem>>)
      } else {
      }
      %add3A_267 = arith.constant 2 : i32
      %add3A_268 = arith.addi %add3A_189, %add3A_267 : i32
      %dma_wait3A_269 = arith.constant 2 : i32
      %dma_wait3A_270 = arith.constant 0 : i32
      %dma_wait3A_271 = arith.constant 0 : i32
      %dma_wait3A_272 = tpu.memref_slice %arg6[%dma_wait3A_269, %dma_wait3A_270, %dma_wait3A_271] : memref<10x128x64xf32, #tpu.memory_space<vmem>> -> memref<1x128x64xf32, #tpu.memory_space<vmem>>
      %dma_wait3A_273 = tpu.memref_squeeze %dma_wait3A_272 : memref<1x128x64xf32, #tpu.memory_space<vmem>> -> memref<128x64xf32, #tpu.memory_space<vmem>>
      %dma_wait3A_274 = arith.constant 0 : i32
      %dma_wait3A_275 = arith.constant 0 : i32
      %dma_wait3A_276 = tpu.memref_slice %arg3[%dma_wait3A_274, %dma_wait3A_275] : memref<1000000x64xf32, #tpu.memory_space<hbm>> -> memref<128x64xf32, #tpu.memory_space<hbm>>
      %dma_wait3A_277 = arith.constant 0 : i32
      %dma_wait3A_278 = arith.constant 0 : i32
      %dma_wait3A_279 = tpu.memref_slice %arg6[%dma_wait3A_269, %dma_wait3A_277, %dma_wait3A_278] : memref<10x128x64xf32, #tpu.memory_space<vmem>> -> memref<1x128x64xf32, #tpu.memory_space<vmem>>
      %dma_wait3A_280 = tpu.memref_squeeze %dma_wait3A_279 : memref<1x128x64xf32, #tpu.memory_space<vmem>> -> memref<128x64xf32, #tpu.memory_space<vmem>>
      %dma_wait3A_281 = arith.constant 0 : i32
      %dma_wait3A_282 = arith.constant 0 : i32
      %dma_wait3A_283 = tpu.memref_slice %arg3[%dma_wait3A_281, %dma_wait3A_282] : memref<1000000x64xf32, #tpu.memory_space<hbm>> -> memref<128x64xf32, #tpu.memory_space<hbm>>
      tpu.wait_dma2 semaphore(%arg9 : memref<!tpu.dma_semaphore, #tpu.memory_space<semaphore_mem>>) src(%dma_wait3A_283 : memref<128x64xf32, #tpu.memory_space<hbm>>) dst(%dma_wait3A_280 : memref<128x64xf32, #tpu.memory_space<vmem>>)
      %mul3A_284 = arith.constant 128 : i32
      %mul3A_285 = arith.muli %add3A_268, %mul3A_284 : i32
      %add3A_286 = arith.addi %mul3A_2, %mul3A_285 : i32
      %dma_start3A_287 = arith.constant 2 : i32
      %dma_start3A_288 = arith.constant 0 : i32
      %dma_start3A_289 = arith.constant 0 : i32
      %dma_start3A_290 = tpu.memref_slice %arg6[%dma_start3A_287, %dma_start3A_288, %dma_start3A_289] : memref<10x128x64xf32, #tpu.memory_space<vmem>> -> memref<1x128x64xf32, #tpu.memory_space<vmem>>
      %dma_start3A_291 = tpu.memref_squeeze %dma_start3A_290 : memref<1x128x64xf32, #tpu.memory_space<vmem>> -> memref<128x64xf32, #tpu.memory_space<vmem>>
      %dma_start3A_292 = arith.constant 0 : i32
      %dma_start3A_293 = tpu.memref_slice %arg4[%add3A_286, %dma_start3A_292] : memref<204800x64xf32, #tpu.memory_space<hbm>> -> memref<128x64xf32, #tpu.memory_space<hbm>>
      %dma_start3A_294 = arith.constant 0 : i32
      %dma_start3A_295 = tpu.memref_slice %arg4[%add3A_286, %dma_start3A_294] : memref<204800x64xf32, #tpu.memory_space<hbm>> -> memref<128x64xf32, #tpu.memory_space<hbm>>
      %dma_start3A_296 = arith.constant 0 : i32
      %dma_start3A_297 = arith.constant 0 : i32
      %dma_start3A_298 = tpu.memref_slice %arg6[%dma_start3A_287, %dma_start3A_296, %dma_start3A_297] : memref<10x128x64xf32, #tpu.memory_space<vmem>> -> memref<1x128x64xf32, #tpu.memory_space<vmem>>
      %dma_start3A_299 = tpu.memref_squeeze %dma_start3A_298 : memref<1x128x64xf32, #tpu.memory_space<vmem>> -> memref<128x64xf32, #tpu.memory_space<vmem>>
      tpu.enqueue_dma source(%dma_start3A_299 : memref<128x64xf32, #tpu.memory_space<vmem>>) target(%dma_start3A_295 : memref<128x64xf32, #tpu.memory_space<hbm>>) target_semaphore(%arg19 : memref<!tpu.dma_semaphore, #tpu.memory_space<semaphore_mem>>)
      %add3A_300 = arith.constant 5 : i32
      %add3A_301 = arith.addi %add3A_268, %add3A_300 : i32
      %lt3A_302 = arith.constant 50 : i32
      %lt3A_303 = arith.cmpi slt, %add3A_301, %lt3A_302 : i32
      %convert_element_type3A_304 = arith.extui %lt3A_303 : i1 to i32
      %cond3A_305 = arith.constant 0 : i32
      %cond3A_306 = arith.cmpi ne, %convert_element_type3A_304, %cond3A_305 : i32
      scf.if %cond3A_306 {
        %sub3A = arith.constant 10 : i32
        %sub3A_587 = arith.subi %add3A_301, %sub3A : i32
        %ge3A = arith.constant 0 : i32
        %ge3A_588 = arith.cmpi sge, %sub3A_587, %ge3A : i32
        %convert_element_type3A_589 = arith.extui %ge3A_588 : i1 to i32
        %cond3A_590 = arith.constant 0 : i32
        %cond3A_591 = arith.cmpi ne, %convert_element_type3A_589, %cond3A_590 : i32
        scf.if %cond3A_591 {
          %dma_wait3A_603 = arith.constant 7 : i32
          %dma_wait3A_604 = arith.constant 0 : i32
          %dma_wait3A_605 = arith.constant 0 : i32
          %dma_wait3A_606 = tpu.memref_slice %arg6[%dma_wait3A_603, %dma_wait3A_604, %dma_wait3A_605] : memref<10x128x64xf32, #tpu.memory_space<vmem>> -> memref<1x128x64xf32, #tpu.memory_space<vmem>>
          %dma_wait3A_607 = tpu.memref_squeeze %dma_wait3A_606 : memref<1x128x64xf32, #tpu.memory_space<vmem>> -> memref<128x64xf32, #tpu.memory_space<vmem>>
          %dma_wait3A_608 = arith.constant 0 : i32
          %dma_wait3A_609 = tpu.memref_slice %arg4[%mul3A_2, %dma_wait3A_608] : memref<204800x64xf32, #tpu.memory_space<hbm>> -> memref<128x64xf32, #tpu.memory_space<hbm>>
          %dma_wait3A_610 = arith.constant 0 : i32
          %dma_wait3A_611 = tpu.memref_slice %arg4[%mul3A_2, %dma_wait3A_610] : memref<204800x64xf32, #tpu.memory_space<hbm>> -> memref<128x64xf32, #tpu.memory_space<hbm>>
          %dma_wait3A_612 = arith.constant 0 : i32
          %dma_wait3A_613 = arith.constant 0 : i32
          %dma_wait3A_614 = tpu.memref_slice %arg6[%dma_wait3A_603, %dma_wait3A_612, %dma_wait3A_613] : memref<10x128x64xf32, #tpu.memory_space<vmem>> -> memref<1x128x64xf32, #tpu.memory_space<vmem>>
          %dma_wait3A_615 = tpu.memref_squeeze %dma_wait3A_614 : memref<1x128x64xf32, #tpu.memory_space<vmem>> -> memref<128x64xf32, #tpu.memory_space<vmem>>
          tpu.wait_dma2 semaphore(%arg24 : memref<!tpu.dma_semaphore, #tpu.memory_space<semaphore_mem>>) src(%dma_wait3A_615 : memref<128x64xf32, #tpu.memory_space<vmem>>) dst(%dma_wait3A_611 : memref<128x64xf32, #tpu.memory_space<hbm>>)
        } else {
        }
        %mul3A_592 = arith.constant 128 : i32
        %mul3A_593 = arith.muli %add3A_301, %mul3A_592 : i32
        %dma_start3A_594 = arith.constant 7 : i32
        %dma_start3A_595 = arith.constant 0 : i32
        %dma_start3A_596 = arith.constant 0 : i32
        %dma_start3A_597 = tpu.memref_slice %arg6[%dma_start3A_594, %dma_start3A_595, %dma_start3A_596] : memref<10x128x64xf32, #tpu.memory_space<vmem>> -> memref<1x128x64xf32, #tpu.memory_space<vmem>>
        %dma_start3A_598 = tpu.memref_squeeze %dma_start3A_597 : memref<1x128x64xf32, #tpu.memory_space<vmem>> -> memref<128x64xf32, #tpu.memory_space<vmem>>
        %dma_start3A_599 = tpu.memref_slice %arg5[%mul3A_593] : memref<6400xi32, #tpu.memory_space<vmem>> -> memref<128xi32, #tpu.memory_space<vmem>>
        %dma_start3A_600 = arith.constant 0 : i32
        %dma_start3A_601 = arith.constant 0 : i32
        %dma_start3A_602 = tpu.memref_slice %arg3[%dma_start3A_600, %dma_start3A_601] : memref<1000000x64xf32, #tpu.memory_space<hbm>> -> memref<1000000x64xf32, #tpu.memory_space<hbm>>
        tpu.enqueue_indirect_dma source(%dma_start3A_602 : memref<1000000x64xf32, #tpu.memory_space<hbm>>) target(%dma_start3A_598 : memref<128x64xf32, #tpu.memory_space<vmem>>) offsets(%dma_start3A_599 : memref<128xi32, #tpu.memory_space<vmem>>) semaphore(%arg14 : memref<!tpu.dma_semaphore, #tpu.memory_space<semaphore_mem>>)
      } else {
      }
      %add3A_307 = arith.constant 3 : i32
      %add3A_308 = arith.addi %add3A_189, %add3A_307 : i32
      %dma_wait3A_309 = arith.constant 3 : i32
      %dma_wait3A_310 = arith.constant 0 : i32
      %dma_wait3A_311 = arith.constant 0 : i32
      %dma_wait3A_312 = tpu.memref_slice %arg6[%dma_wait3A_309, %dma_wait3A_310, %dma_wait3A_311] : memref<10x128x64xf32, #tpu.memory_space<vmem>> -> memref<1x128x64xf32, #tpu.memory_space<vmem>>
      %dma_wait3A_313 = tpu.memref_squeeze %dma_wait3A_312 : memref<1x128x64xf32, #tpu.memory_space<vmem>> -> memref<128x64xf32, #tpu.memory_space<vmem>>
      %dma_wait3A_314 = arith.constant 0 : i32
      %dma_wait3A_315 = arith.constant 0 : i32
      %dma_wait3A_316 = tpu.memref_slice %arg3[%dma_wait3A_314, %dma_wait3A_315] : memref<1000000x64xf32, #tpu.memory_space<hbm>> -> memref<128x64xf32, #tpu.memory_space<hbm>>
      %dma_wait3A_317 = arith.constant 0 : i32
      %dma_wait3A_318 = arith.constant 0 : i32
      %dma_wait3A_319 = tpu.memref_slice %arg6[%dma_wait3A_309, %dma_wait3A_317, %dma_wait3A_318] : memref<10x128x64xf32, #tpu.memory_space<vmem>> -> memref<1x128x64xf32, #tpu.memory_space<vmem>>
      %dma_wait3A_320 = tpu.memref_squeeze %dma_wait3A_319 : memref<1x128x64xf32, #tpu.memory_space<vmem>> -> memref<128x64xf32, #tpu.memory_space<vmem>>
      %dma_wait3A_321 = arith.constant 0 : i32
      %dma_wait3A_322 = arith.constant 0 : i32
      %dma_wait3A_323 = tpu.memref_slice %arg3[%dma_wait3A_321, %dma_wait3A_322] : memref<1000000x64xf32, #tpu.memory_space<hbm>> -> memref<128x64xf32, #tpu.memory_space<hbm>>
      tpu.wait_dma2 semaphore(%arg10 : memref<!tpu.dma_semaphore, #tpu.memory_space<semaphore_mem>>) src(%dma_wait3A_323 : memref<128x64xf32, #tpu.memory_space<hbm>>) dst(%dma_wait3A_320 : memref<128x64xf32, #tpu.memory_space<vmem>>)
      %mul3A_324 = arith.constant 128 : i32
      %mul3A_325 = arith.muli %add3A_308, %mul3A_324 : i32
      %add3A_326 = arith.addi %mul3A_2, %mul3A_325 : i32
      %dma_start3A_327 = arith.constant 3 : i32
      %dma_start3A_328 = arith.constant 0 : i32
      %dma_start3A_329 = arith.constant 0 : i32
      %dma_start3A_330 = tpu.memref_slice %arg6[%dma_start3A_327, %dma_start3A_328, %dma_start3A_329] : memref<10x128x64xf32, #tpu.memory_space<vmem>> -> memref<1x128x64xf32, #tpu.memory_space<vmem>>
      %dma_start3A_331 = tpu.memref_squeeze %dma_start3A_330 : memref<1x128x64xf32, #tpu.memory_space<vmem>> -> memref<128x64xf32, #tpu.memory_space<vmem>>
      %dma_start3A_332 = arith.constant 0 : i32
      %dma_start3A_333 = tpu.memref_slice %arg4[%add3A_326, %dma_start3A_332] : memref<204800x64xf32, #tpu.memory_space<hbm>> -> memref<128x64xf32, #tpu.memory_space<hbm>>
      %dma_start3A_334 = arith.constant 0 : i32
      %dma_start3A_335 = tpu.memref_slice %arg4[%add3A_326, %dma_start3A_334] : memref<204800x64xf32, #tpu.memory_space<hbm>> -> memref<128x64xf32, #tpu.memory_space<hbm>>
      %dma_start3A_336 = arith.constant 0 : i32
      %dma_start3A_337 = arith.constant 0 : i32
      %dma_start3A_338 = tpu.memref_slice %arg6[%dma_start3A_327, %dma_start3A_336, %dma_start3A_337] : memref<10x128x64xf32, #tpu.memory_space<vmem>> -> memref<1x128x64xf32, #tpu.memory_space<vmem>>
      %dma_start3A_339 = tpu.memref_squeeze %dma_start3A_338 : memref<1x128x64xf32, #tpu.memory_space<vmem>> -> memref<128x64xf32, #tpu.memory_space<vmem>>
      tpu.enqueue_dma source(%dma_start3A_339 : memref<128x64xf32, #tpu.memory_space<vmem>>) target(%dma_start3A_335 : memref<128x64xf32, #tpu.memory_space<hbm>>) target_semaphore(%arg20 : memref<!tpu.dma_semaphore, #tpu.memory_space<semaphore_mem>>)
      %add3A_340 = arith.constant 5 : i32
      %add3A_341 = arith.addi %add3A_308, %add3A_340 : i32
      %lt3A_342 = arith.constant 50 : i32
      %lt3A_343 = arith.cmpi slt, %add3A_341, %lt3A_342 : i32
      %convert_element_type3A_344 = arith.extui %lt3A_343 : i1 to i32
      %cond3A_345 = arith.constant 0 : i32
      %cond3A_346 = arith.cmpi ne, %convert_element_type3A_344, %cond3A_345 : i32
      scf.if %cond3A_346 {
        %sub3A = arith.constant 10 : i32
        %sub3A_587 = arith.subi %add3A_341, %sub3A : i32
        %ge3A = arith.constant 0 : i32
        %ge3A_588 = arith.cmpi sge, %sub3A_587, %ge3A : i32
        %convert_element_type3A_589 = arith.extui %ge3A_588 : i1 to i32
        %cond3A_590 = arith.constant 0 : i32
        %cond3A_591 = arith.cmpi ne, %convert_element_type3A_589, %cond3A_590 : i32
        scf.if %cond3A_591 {
          %dma_wait3A_603 = arith.constant 8 : i32
          %dma_wait3A_604 = arith.constant 0 : i32
          %dma_wait3A_605 = arith.constant 0 : i32
          %dma_wait3A_606 = tpu.memref_slice %arg6[%dma_wait3A_603, %dma_wait3A_604, %dma_wait3A_605] : memref<10x128x64xf32, #tpu.memory_space<vmem>> -> memref<1x128x64xf32, #tpu.memory_space<vmem>>
          %dma_wait3A_607 = tpu.memref_squeeze %dma_wait3A_606 : memref<1x128x64xf32, #tpu.memory_space<vmem>> -> memref<128x64xf32, #tpu.memory_space<vmem>>
          %dma_wait3A_608 = arith.constant 0 : i32
          %dma_wait3A_609 = tpu.memref_slice %arg4[%mul3A_2, %dma_wait3A_608] : memref<204800x64xf32, #tpu.memory_space<hbm>> -> memref<128x64xf32, #tpu.memory_space<hbm>>
          %dma_wait3A_610 = arith.constant 0 : i32
          %dma_wait3A_611 = tpu.memref_slice %arg4[%mul3A_2, %dma_wait3A_610] : memref<204800x64xf32, #tpu.memory_space<hbm>> -> memref<128x64xf32, #tpu.memory_space<hbm>>
          %dma_wait3A_612 = arith.constant 0 : i32
          %dma_wait3A_613 = arith.constant 0 : i32
          %dma_wait3A_614 = tpu.memref_slice %arg6[%dma_wait3A_603, %dma_wait3A_612, %dma_wait3A_613] : memref<10x128x64xf32, #tpu.memory_space<vmem>> -> memref<1x128x64xf32, #tpu.memory_space<vmem>>
          %dma_wait3A_615 = tpu.memref_squeeze %dma_wait3A_614 : memref<1x128x64xf32, #tpu.memory_space<vmem>> -> memref<128x64xf32, #tpu.memory_space<vmem>>
          tpu.wait_dma2 semaphore(%arg25 : memref<!tpu.dma_semaphore, #tpu.memory_space<semaphore_mem>>) src(%dma_wait3A_615 : memref<128x64xf32, #tpu.memory_space<vmem>>) dst(%dma_wait3A_611 : memref<128x64xf32, #tpu.memory_space<hbm>>)
        } else {
        }
        %mul3A_592 = arith.constant 128 : i32
        %mul3A_593 = arith.muli %add3A_341, %mul3A_592 : i32
        %dma_start3A_594 = arith.constant 8 : i32
        %dma_start3A_595 = arith.constant 0 : i32
        %dma_start3A_596 = arith.constant 0 : i32
        %dma_start3A_597 = tpu.memref_slice %arg6[%dma_start3A_594, %dma_start3A_595, %dma_start3A_596] : memref<10x128x64xf32, #tpu.memory_space<vmem>> -> memref<1x128x64xf32, #tpu.memory_space<vmem>>
        %dma_start3A_598 = tpu.memref_squeeze %dma_start3A_597 : memref<1x128x64xf32, #tpu.memory_space<vmem>> -> memref<128x64xf32, #tpu.memory_space<vmem>>
        %dma_start3A_599 = tpu.memref_slice %arg5[%mul3A_593] : memref<6400xi32, #tpu.memory_space<vmem>> -> memref<128xi32, #tpu.memory_space<vmem>>
        %dma_start3A_600 = arith.constant 0 : i32
        %dma_start3A_601 = arith.constant 0 : i32
        %dma_start3A_602 = tpu.memref_slice %arg3[%dma_start3A_600, %dma_start3A_601] : memref<1000000x64xf32, #tpu.memory_space<hbm>> -> memref<1000000x64xf32, #tpu.memory_space<hbm>>
        tpu.enqueue_indirect_dma source(%dma_start3A_602 : memref<1000000x64xf32, #tpu.memory_space<hbm>>) target(%dma_start3A_598 : memref<128x64xf32, #tpu.memory_space<vmem>>) offsets(%dma_start3A_599 : memref<128xi32, #tpu.memory_space<vmem>>) semaphore(%arg15 : memref<!tpu.dma_semaphore, #tpu.memory_space<semaphore_mem>>)
      } else {
      }
      %add3A_347 = arith.constant 4 : i32
      %add3A_348 = arith.addi %add3A_189, %add3A_347 : i32
      %dma_wait3A_349 = arith.constant 4 : i32
      %dma_wait3A_350 = arith.constant 0 : i32
      %dma_wait3A_351 = arith.constant 0 : i32
      %dma_wait3A_352 = tpu.memref_slice %arg6[%dma_wait3A_349, %dma_wait3A_350, %dma_wait3A_351] : memref<10x128x64xf32, #tpu.memory_space<vmem>> -> memref<1x128x64xf32, #tpu.memory_space<vmem>>
      %dma_wait3A_353 = tpu.memref_squeeze %dma_wait3A_352 : memref<1x128x64xf32, #tpu.memory_space<vmem>> -> memref<128x64xf32, #tpu.memory_space<vmem>>
      %dma_wait3A_354 = arith.constant 0 : i32
      %dma_wait3A_355 = arith.constant 0 : i32
      %dma_wait3A_356 = tpu.memref_slice %arg3[%dma_wait3A_354, %dma_wait3A_355] : memref<1000000x64xf32, #tpu.memory_space<hbm>> -> memref<128x64xf32, #tpu.memory_space<hbm>>
      %dma_wait3A_357 = arith.constant 0 : i32
      %dma_wait3A_358 = arith.constant 0 : i32
      %dma_wait3A_359 = tpu.memref_slice %arg6[%dma_wait3A_349, %dma_wait3A_357, %dma_wait3A_358] : memref<10x128x64xf32, #tpu.memory_space<vmem>> -> memref<1x128x64xf32, #tpu.memory_space<vmem>>
      %dma_wait3A_360 = tpu.memref_squeeze %dma_wait3A_359 : memref<1x128x64xf32, #tpu.memory_space<vmem>> -> memref<128x64xf32, #tpu.memory_space<vmem>>
      %dma_wait3A_361 = arith.constant 0 : i32
      %dma_wait3A_362 = arith.constant 0 : i32
      %dma_wait3A_363 = tpu.memref_slice %arg3[%dma_wait3A_361, %dma_wait3A_362] : memref<1000000x64xf32, #tpu.memory_space<hbm>> -> memref<128x64xf32, #tpu.memory_space<hbm>>
      tpu.wait_dma2 semaphore(%arg11 : memref<!tpu.dma_semaphore, #tpu.memory_space<semaphore_mem>>) src(%dma_wait3A_363 : memref<128x64xf32, #tpu.memory_space<hbm>>) dst(%dma_wait3A_360 : memref<128x64xf32, #tpu.memory_space<vmem>>)
      %mul3A_364 = arith.constant 128 : i32
      %mul3A_365 = arith.muli %add3A_348, %mul3A_364 : i32
      %add3A_366 = arith.addi %mul3A_2, %mul3A_365 : i32
      %dma_start3A_367 = arith.constant 4 : i32
      %dma_start3A_368 = arith.constant 0 : i32
      %dma_start3A_369 = arith.constant 0 : i32
      %dma_start3A_370 = tpu.memref_slice %arg6[%dma_start3A_367, %dma_start3A_368, %dma_start3A_369] : memref<10x128x64xf32, #tpu.memory_space<vmem>> -> memref<1x128x64xf32, #tpu.memory_space<vmem>>
      %dma_start3A_371 = tpu.memref_squeeze %dma_start3A_370 : memref<1x128x64xf32, #tpu.memory_space<vmem>> -> memref<128x64xf32, #tpu.memory_space<vmem>>
      %dma_start3A_372 = arith.constant 0 : i32
      %dma_start3A_373 = tpu.memref_slice %arg4[%add3A_366, %dma_start3A_372] : memref<204800x64xf32, #tpu.memory_space<hbm>> -> memref<128x64xf32, #tpu.memory_space<hbm>>
      %dma_start3A_374 = arith.constant 0 : i32
      %dma_start3A_375 = tpu.memref_slice %arg4[%add3A_366, %dma_start3A_374] : memref<204800x64xf32, #tpu.memory_space<hbm>> -> memref<128x64xf32, #tpu.memory_space<hbm>>
      %dma_start3A_376 = arith.constant 0 : i32
      %dma_start3A_377 = arith.constant 0 : i32
      %dma_start3A_378 = tpu.memref_slice %arg6[%dma_start3A_367, %dma_start3A_376, %dma_start3A_377] : memref<10x128x64xf32, #tpu.memory_space<vmem>> -> memref<1x128x64xf32, #tpu.memory_space<vmem>>
      %dma_start3A_379 = tpu.memref_squeeze %dma_start3A_378 : memref<1x128x64xf32, #tpu.memory_space<vmem>> -> memref<128x64xf32, #tpu.memory_space<vmem>>
      tpu.enqueue_dma source(%dma_start3A_379 : memref<128x64xf32, #tpu.memory_space<vmem>>) target(%dma_start3A_375 : memref<128x64xf32, #tpu.memory_space<hbm>>) target_semaphore(%arg21 : memref<!tpu.dma_semaphore, #tpu.memory_space<semaphore_mem>>)
      %add3A_380 = arith.constant 5 : i32
      %add3A_381 = arith.addi %add3A_348, %add3A_380 : i32
      %lt3A_382 = arith.constant 50 : i32
      %lt3A_383 = arith.cmpi slt, %add3A_381, %lt3A_382 : i32
      %convert_element_type3A_384 = arith.extui %lt3A_383 : i1 to i32
      %cond3A_385 = arith.constant 0 : i32
      %cond3A_386 = arith.cmpi ne, %convert_element_type3A_384, %cond3A_385 : i32
      scf.if %cond3A_386 {
        %sub3A = arith.constant 10 : i32
        %sub3A_587 = arith.subi %add3A_381, %sub3A : i32
        %ge3A = arith.constant 0 : i32
        %ge3A_588 = arith.cmpi sge, %sub3A_587, %ge3A : i32
        %convert_element_type3A_589 = arith.extui %ge3A_588 : i1 to i32
        %cond3A_590 = arith.constant 0 : i32
        %cond3A_591 = arith.cmpi ne, %convert_element_type3A_589, %cond3A_590 : i32
        scf.if %cond3A_591 {
          %dma_wait3A_603 = arith.constant 9 : i32
          %dma_wait3A_604 = arith.constant 0 : i32
          %dma_wait3A_605 = arith.constant 0 : i32
          %dma_wait3A_606 = tpu.memref_slice %arg6[%dma_wait3A_603, %dma_wait3A_604, %dma_wait3A_605] : memref<10x128x64xf32, #tpu.memory_space<vmem>> -> memref<1x128x64xf32, #tpu.memory_space<vmem>>
          %dma_wait3A_607 = tpu.memref_squeeze %dma_wait3A_606 : memref<1x128x64xf32, #tpu.memory_space<vmem>> -> memref<128x64xf32, #tpu.memory_space<vmem>>
          %dma_wait3A_608 = arith.constant 0 : i32
          %dma_wait3A_609 = tpu.memref_slice %arg4[%mul3A_2, %dma_wait3A_608] : memref<204800x64xf32, #tpu.memory_space<hbm>> -> memref<128x64xf32, #tpu.memory_space<hbm>>
          %dma_wait3A_610 = arith.constant 0 : i32
          %dma_wait3A_611 = tpu.memref_slice %arg4[%mul3A_2, %dma_wait3A_610] : memref<204800x64xf32, #tpu.memory_space<hbm>> -> memref<128x64xf32, #tpu.memory_space<hbm>>
          %dma_wait3A_612 = arith.constant 0 : i32
          %dma_wait3A_613 = arith.constant 0 : i32
          %dma_wait3A_614 = tpu.memref_slice %arg6[%dma_wait3A_603, %dma_wait3A_612, %dma_wait3A_613] : memref<10x128x64xf32, #tpu.memory_space<vmem>> -> memref<1x128x64xf32, #tpu.memory_space<vmem>>
          %dma_wait3A_615 = tpu.memref_squeeze %dma_wait3A_614 : memref<1x128x64xf32, #tpu.memory_space<vmem>> -> memref<128x64xf32, #tpu.memory_space<vmem>>
          tpu.wait_dma2 semaphore(%arg26 : memref<!tpu.dma_semaphore, #tpu.memory_space<semaphore_mem>>) src(%dma_wait3A_615 : memref<128x64xf32, #tpu.memory_space<vmem>>) dst(%dma_wait3A_611 : memref<128x64xf32, #tpu.memory_space<hbm>>)
        } else {
        }
        %mul3A_592 = arith.constant 128 : i32
        %mul3A_593 = arith.muli %add3A_381, %mul3A_592 : i32
        %dma_start3A_594 = arith.constant 9 : i32
        %dma_start3A_595 = arith.constant 0 : i32
        %dma_start3A_596 = arith.constant 0 : i32
        %dma_start3A_597 = tpu.memref_slice %arg6[%dma_start3A_594, %dma_start3A_595, %dma_start3A_596] : memref<10x128x64xf32, #tpu.memory_space<vmem>> -> memref<1x128x64xf32, #tpu.memory_space<vmem>>
        %dma_start3A_598 = tpu.memref_squeeze %dma_start3A_597 : memref<1x128x64xf32, #tpu.memory_space<vmem>> -> memref<128x64xf32, #tpu.memory_space<vmem>>
        %dma_start3A_599 = tpu.memref_slice %arg5[%mul3A_593] : memref<6400xi32, #tpu.memory_space<vmem>> -> memref<128xi32, #tpu.memory_space<vmem>>
        %dma_start3A_600 = arith.constant 0 : i32
        %dma_start3A_601 = arith.constant 0 : i32
        %dma_start3A_602 = tpu.memref_slice %arg3[%dma_start3A_600, %dma_start3A_601] : memref<1000000x64xf32, #tpu.memory_space<hbm>> -> memref<1000000x64xf32, #tpu.memory_space<hbm>>
        tpu.enqueue_indirect_dma source(%dma_start3A_602 : memref<1000000x64xf32, #tpu.memory_space<hbm>>) target(%dma_start3A_598 : memref<128x64xf32, #tpu.memory_space<vmem>>) offsets(%dma_start3A_599 : memref<128xi32, #tpu.memory_space<vmem>>) semaphore(%arg16 : memref<!tpu.dma_semaphore, #tpu.memory_space<semaphore_mem>>)
      } else {
      }
      %add3A_387 = arith.constant 5 : i32
      %add3A_388 = arith.addi %add3A_189, %add3A_387 : i32
      %dma_wait3A_389 = arith.constant 5 : i32
      %dma_wait3A_390 = arith.constant 0 : i32
      %dma_wait3A_391 = arith.constant 0 : i32
      %dma_wait3A_392 = tpu.memref_slice %arg6[%dma_wait3A_389, %dma_wait3A_390, %dma_wait3A_391] : memref<10x128x64xf32, #tpu.memory_space<vmem>> -> memref<1x128x64xf32, #tpu.memory_space<vmem>>
      %dma_wait3A_393 = tpu.memref_squeeze %dma_wait3A_392 : memref<1x128x64xf32, #tpu.memory_space<vmem>> -> memref<128x64xf32, #tpu.memory_space<vmem>>
      %dma_wait3A_394 = arith.constant 0 : i32
      %dma_wait3A_395 = arith.constant 0 : i32
      %dma_wait3A_396 = tpu.memref_slice %arg3[%dma_wait3A_394, %dma_wait3A_395] : memref<1000000x64xf32, #tpu.memory_space<hbm>> -> memref<128x64xf32, #tpu.memory_space<hbm>>
      %dma_wait3A_397 = arith.constant 0 : i32
      %dma_wait3A_398 = arith.constant 0 : i32
      %dma_wait3A_399 = tpu.memref_slice %arg6[%dma_wait3A_389, %dma_wait3A_397, %dma_wait3A_398] : memref<10x128x64xf32, #tpu.memory_space<vmem>> -> memref<1x128x64xf32, #tpu.memory_space<vmem>>
      %dma_wait3A_400 = tpu.memref_squeeze %dma_wait3A_399 : memref<1x128x64xf32, #tpu.memory_space<vmem>> -> memref<128x64xf32, #tpu.memory_space<vmem>>
      %dma_wait3A_401 = arith.constant 0 : i32
      %dma_wait3A_402 = arith.constant 0 : i32
      %dma_wait3A_403 = tpu.memref_slice %arg3[%dma_wait3A_401, %dma_wait3A_402] : memref<1000000x64xf32, #tpu.memory_space<hbm>> -> memref<128x64xf32, #tpu.memory_space<hbm>>
      tpu.wait_dma2 semaphore(%arg12 : memref<!tpu.dma_semaphore, #tpu.memory_space<semaphore_mem>>) src(%dma_wait3A_403 : memref<128x64xf32, #tpu.memory_space<hbm>>) dst(%dma_wait3A_400 : memref<128x64xf32, #tpu.memory_space<vmem>>)
      %mul3A_404 = arith.constant 128 : i32
      %mul3A_405 = arith.muli %add3A_388, %mul3A_404 : i32
      %add3A_406 = arith.addi %mul3A_2, %mul3A_405 : i32
      %dma_start3A_407 = arith.constant 5 : i32
      %dma_start3A_408 = arith.constant 0 : i32
      %dma_start3A_409 = arith.constant 0 : i32
      %dma_start3A_410 = tpu.memref_slice %arg6[%dma_start3A_407, %dma_start3A_408, %dma_start3A_409] : memref<10x128x64xf32, #tpu.memory_space<vmem>> -> memref<1x128x64xf32, #tpu.memory_space<vmem>>
      %dma_start3A_411 = tpu.memref_squeeze %dma_start3A_410 : memref<1x128x64xf32, #tpu.memory_space<vmem>> -> memref<128x64xf32, #tpu.memory_space<vmem>>
      %dma_start3A_412 = arith.constant 0 : i32
      %dma_start3A_413 = tpu.memref_slice %arg4[%add3A_406, %dma_start3A_412] : memref<204800x64xf32, #tpu.memory_space<hbm>> -> memref<128x64xf32, #tpu.memory_space<hbm>>
      %dma_start3A_414 = arith.constant 0 : i32
      %dma_start3A_415 = tpu.memref_slice %arg4[%add3A_406, %dma_start3A_414] : memref<204800x64xf32, #tpu.memory_space<hbm>> -> memref<128x64xf32, #tpu.memory_space<hbm>>
      %dma_start3A_416 = arith.constant 0 : i32
      %dma_start3A_417 = arith.constant 0 : i32
      %dma_start3A_418 = tpu.memref_slice %arg6[%dma_start3A_407, %dma_start3A_416, %dma_start3A_417] : memref<10x128x64xf32, #tpu.memory_space<vmem>> -> memref<1x128x64xf32, #tpu.memory_space<vmem>>
      %dma_start3A_419 = tpu.memref_squeeze %dma_start3A_418 : memref<1x128x64xf32, #tpu.memory_space<vmem>> -> memref<128x64xf32, #tpu.memory_space<vmem>>
      tpu.enqueue_dma source(%dma_start3A_419 : memref<128x64xf32, #tpu.memory_space<vmem>>) target(%dma_start3A_415 : memref<128x64xf32, #tpu.memory_space<hbm>>) target_semaphore(%arg22 : memref<!tpu.dma_semaphore, #tpu.memory_space<semaphore_mem>>)
      %add3A_420 = arith.constant 5 : i32
      %add3A_421 = arith.addi %add3A_388, %add3A_420 : i32
      %lt3A_422 = arith.constant 50 : i32
      %lt3A_423 = arith.cmpi slt, %add3A_421, %lt3A_422 : i32
      %convert_element_type3A_424 = arith.extui %lt3A_423 : i1 to i32
      %cond3A_425 = arith.constant 0 : i32
      %cond3A_426 = arith.cmpi ne, %convert_element_type3A_424, %cond3A_425 : i32
      scf.if %cond3A_426 {
        %sub3A = arith.constant 10 : i32
        %sub3A_587 = arith.subi %add3A_421, %sub3A : i32
        %ge3A = arith.constant 0 : i32
        %ge3A_588 = arith.cmpi sge, %sub3A_587, %ge3A : i32
        %convert_element_type3A_589 = arith.extui %ge3A_588 : i1 to i32
        %cond3A_590 = arith.constant 0 : i32
        %cond3A_591 = arith.cmpi ne, %convert_element_type3A_589, %cond3A_590 : i32
        scf.if %cond3A_591 {
          %dma_wait3A_603 = arith.constant 0 : i32
          %dma_wait3A_604 = arith.constant 0 : i32
          %dma_wait3A_605 = arith.constant 0 : i32
          %dma_wait3A_606 = tpu.memref_slice %arg6[%dma_wait3A_603, %dma_wait3A_604, %dma_wait3A_605] : memref<10x128x64xf32, #tpu.memory_space<vmem>> -> memref<1x128x64xf32, #tpu.memory_space<vmem>>
          %dma_wait3A_607 = tpu.memref_squeeze %dma_wait3A_606 : memref<1x128x64xf32, #tpu.memory_space<vmem>> -> memref<128x64xf32, #tpu.memory_space<vmem>>
          %dma_wait3A_608 = arith.constant 0 : i32
          %dma_wait3A_609 = tpu.memref_slice %arg4[%mul3A_2, %dma_wait3A_608] : memref<204800x64xf32, #tpu.memory_space<hbm>> -> memref<128x64xf32, #tpu.memory_space<hbm>>
          %dma_wait3A_610 = arith.constant 0 : i32
          %dma_wait3A_611 = tpu.memref_slice %arg4[%mul3A_2, %dma_wait3A_610] : memref<204800x64xf32, #tpu.memory_space<hbm>> -> memref<128x64xf32, #tpu.memory_space<hbm>>
          %dma_wait3A_612 = arith.constant 0 : i32
          %dma_wait3A_613 = arith.constant 0 : i32
          %dma_wait3A_614 = tpu.memref_slice %arg6[%dma_wait3A_603, %dma_wait3A_612, %dma_wait3A_613] : memref<10x128x64xf32, #tpu.memory_space<vmem>> -> memref<1x128x64xf32, #tpu.memory_space<vmem>>
          %dma_wait3A_615 = tpu.memref_squeeze %dma_wait3A_614 : memref<1x128x64xf32, #tpu.memory_space<vmem>> -> memref<128x64xf32, #tpu.memory_space<vmem>>
          tpu.wait_dma2 semaphore(%arg17 : memref<!tpu.dma_semaphore, #tpu.memory_space<semaphore_mem>>) src(%dma_wait3A_615 : memref<128x64xf32, #tpu.memory_space<vmem>>) dst(%dma_wait3A_611 : memref<128x64xf32, #tpu.memory_space<hbm>>)
        } else {
        }
        %mul3A_592 = arith.constant 128 : i32
        %mul3A_593 = arith.muli %add3A_421, %mul3A_592 : i32
        %dma_start3A_594 = arith.constant 0 : i32
        %dma_start3A_595 = arith.constant 0 : i32
        %dma_start3A_596 = arith.constant 0 : i32
        %dma_start3A_597 = tpu.memref_slice %arg6[%dma_start3A_594, %dma_start3A_595, %dma_start3A_596] : memref<10x128x64xf32, #tpu.memory_space<vmem>> -> memref<1x128x64xf32, #tpu.memory_space<vmem>>
        %dma_start3A_598 = tpu.memref_squeeze %dma_start3A_597 : memref<1x128x64xf32, #tpu.memory_space<vmem>> -> memref<128x64xf32, #tpu.memory_space<vmem>>
        %dma_start3A_599 = tpu.memref_slice %arg5[%mul3A_593] : memref<6400xi32, #tpu.memory_space<vmem>> -> memref<128xi32, #tpu.memory_space<vmem>>
        %dma_start3A_600 = arith.constant 0 : i32
        %dma_start3A_601 = arith.constant 0 : i32
        %dma_start3A_602 = tpu.memref_slice %arg3[%dma_start3A_600, %dma_start3A_601] : memref<1000000x64xf32, #tpu.memory_space<hbm>> -> memref<1000000x64xf32, #tpu.memory_space<hbm>>
        tpu.enqueue_indirect_dma source(%dma_start3A_602 : memref<1000000x64xf32, #tpu.memory_space<hbm>>) target(%dma_start3A_598 : memref<128x64xf32, #tpu.memory_space<vmem>>) offsets(%dma_start3A_599 : memref<128xi32, #tpu.memory_space<vmem>>) semaphore(%arg7 : memref<!tpu.dma_semaphore, #tpu.memory_space<semaphore_mem>>)
      } else {
      }
      %add3A_427 = arith.constant 6 : i32
      %add3A_428 = arith.addi %add3A_189, %add3A_427 : i32
      %dma_wait3A_429 = arith.constant 6 : i32
      %dma_wait3A_430 = arith.constant 0 : i32
      %dma_wait3A_431 = arith.constant 0 : i32
      %dma_wait3A_432 = tpu.memref_slice %arg6[%dma_wait3A_429, %dma_wait3A_430, %dma_wait3A_431] : memref<10x128x64xf32, #tpu.memory_space<vmem>> -> memref<1x128x64xf32, #tpu.memory_space<vmem>>
      %dma_wait3A_433 = tpu.memref_squeeze %dma_wait3A_432 : memref<1x128x64xf32, #tpu.memory_space<vmem>> -> memref<128x64xf32, #tpu.memory_space<vmem>>
      %dma_wait3A_434 = arith.constant 0 : i32
      %dma_wait3A_435 = arith.constant 0 : i32
      %dma_wait3A_436 = tpu.memref_slice %arg3[%dma_wait3A_434, %dma_wait3A_435] : memref<1000000x64xf32, #tpu.memory_space<hbm>> -> memref<128x64xf32, #tpu.memory_space<hbm>>
      %dma_wait3A_437 = arith.constant 0 : i32
      %dma_wait3A_438 = arith.constant 0 : i32
      %dma_wait3A_439 = tpu.memref_slice %arg6[%dma_wait3A_429, %dma_wait3A_437, %dma_wait3A_438] : memref<10x128x64xf32, #tpu.memory_space<vmem>> -> memref<1x128x64xf32, #tpu.memory_space<vmem>>
      %dma_wait3A_440 = tpu.memref_squeeze %dma_wait3A_439 : memref<1x128x64xf32, #tpu.memory_space<vmem>> -> memref<128x64xf32, #tpu.memory_space<vmem>>
      %dma_wait3A_441 = arith.constant 0 : i32
      %dma_wait3A_442 = arith.constant 0 : i32
      %dma_wait3A_443 = tpu.memref_slice %arg3[%dma_wait3A_441, %dma_wait3A_442] : memref<1000000x64xf32, #tpu.memory_space<hbm>> -> memref<128x64xf32, #tpu.memory_space<hbm>>
      tpu.wait_dma2 semaphore(%arg13 : memref<!tpu.dma_semaphore, #tpu.memory_space<semaphore_mem>>) src(%dma_wait3A_443 : memref<128x64xf32, #tpu.memory_space<hbm>>) dst(%dma_wait3A_440 : memref<128x64xf32, #tpu.memory_space<vmem>>)
      %mul3A_444 = arith.constant 128 : i32
      %mul3A_445 = arith.muli %add3A_428, %mul3A_444 : i32
      %add3A_446 = arith.addi %mul3A_2, %mul3A_445 : i32
      %dma_start3A_447 = arith.constant 6 : i32
      %dma_start3A_448 = arith.constant 0 : i32
      %dma_start3A_449 = arith.constant 0 : i32
      %dma_start3A_450 = tpu.memref_slice %arg6[%dma_start3A_447, %dma_start3A_448, %dma_start3A_449] : memref<10x128x64xf32, #tpu.memory_space<vmem>> -> memref<1x128x64xf32, #tpu.memory_space<vmem>>
      %dma_start3A_451 = tpu.memref_squeeze %dma_start3A_450 : memref<1x128x64xf32, #tpu.memory_space<vmem>> -> memref<128x64xf32, #tpu.memory_space<vmem>>
      %dma_start3A_452 = arith.constant 0 : i32
      %dma_start3A_453 = tpu.memref_slice %arg4[%add3A_446, %dma_start3A_452] : memref<204800x64xf32, #tpu.memory_space<hbm>> -> memref<128x64xf32, #tpu.memory_space<hbm>>
      %dma_start3A_454 = arith.constant 0 : i32
      %dma_start3A_455 = tpu.memref_slice %arg4[%add3A_446, %dma_start3A_454] : memref<204800x64xf32, #tpu.memory_space<hbm>> -> memref<128x64xf32, #tpu.memory_space<hbm>>
      %dma_start3A_456 = arith.constant 0 : i32
      %dma_start3A_457 = arith.constant 0 : i32
      %dma_start3A_458 = tpu.memref_slice %arg6[%dma_start3A_447, %dma_start3A_456, %dma_start3A_457] : memref<10x128x64xf32, #tpu.memory_space<vmem>> -> memref<1x128x64xf32, #tpu.memory_space<vmem>>
      %dma_start3A_459 = tpu.memref_squeeze %dma_start3A_458 : memref<1x128x64xf32, #tpu.memory_space<vmem>> -> memref<128x64xf32, #tpu.memory_space<vmem>>
      tpu.enqueue_dma source(%dma_start3A_459 : memref<128x64xf32, #tpu.memory_space<vmem>>) target(%dma_start3A_455 : memref<128x64xf32, #tpu.memory_space<hbm>>) target_semaphore(%arg23 : memref<!tpu.dma_semaphore, #tpu.memory_space<semaphore_mem>>)
      %add3A_460 = arith.constant 5 : i32
      %add3A_461 = arith.addi %add3A_428, %add3A_460 : i32
      %lt3A_462 = arith.constant 50 : i32
      %lt3A_463 = arith.cmpi slt, %add3A_461, %lt3A_462 : i32
      %convert_element_type3A_464 = arith.extui %lt3A_463 : i1 to i32
      %cond3A_465 = arith.constant 0 : i32
      %cond3A_466 = arith.cmpi ne, %convert_element_type3A_464, %cond3A_465 : i32
      scf.if %cond3A_466 {
        %sub3A = arith.constant 10 : i32
        %sub3A_587 = arith.subi %add3A_461, %sub3A : i32
        %ge3A = arith.constant 0 : i32
        %ge3A_588 = arith.cmpi sge, %sub3A_587, %ge3A : i32
        %convert_element_type3A_589 = arith.extui %ge3A_588 : i1 to i32
        %cond3A_590 = arith.constant 0 : i32
        %cond3A_591 = arith.cmpi ne, %convert_element_type3A_589, %cond3A_590 : i32
        scf.if %cond3A_591 {
          %dma_wait3A_603 = arith.constant 1 : i32
          %dma_wait3A_604 = arith.constant 0 : i32
          %dma_wait3A_605 = arith.constant 0 : i32
          %dma_wait3A_606 = tpu.memref_slice %arg6[%dma_wait3A_603, %dma_wait3A_604, %dma_wait3A_605] : memref<10x128x64xf32, #tpu.memory_space<vmem>> -> memref<1x128x64xf32, #tpu.memory_space<vmem>>
          %dma_wait3A_607 = tpu.memref_squeeze %dma_wait3A_606 : memref<1x128x64xf32, #tpu.memory_space<vmem>> -> memref<128x64xf32, #tpu.memory_space<vmem>>
          %dma_wait3A_608 = arith.constant 0 : i32
          %dma_wait3A_609 = tpu.memref_slice %arg4[%mul3A_2, %dma_wait3A_608] : memref<204800x64xf32, #tpu.memory_space<hbm>> -> memref<128x64xf32, #tpu.memory_space<hbm>>
          %dma_wait3A_610 = arith.constant 0 : i32
          %dma_wait3A_611 = tpu.memref_slice %arg4[%mul3A_2, %dma_wait3A_610] : memref<204800x64xf32, #tpu.memory_space<hbm>> -> memref<128x64xf32, #tpu.memory_space<hbm>>
          %dma_wait3A_612 = arith.constant 0 : i32
          %dma_wait3A_613 = arith.constant 0 : i32
          %dma_wait3A_614 = tpu.memref_slice %arg6[%dma_wait3A_603, %dma_wait3A_612, %dma_wait3A_613] : memref<10x128x64xf32, #tpu.memory_space<vmem>> -> memref<1x128x64xf32, #tpu.memory_space<vmem>>
          %dma_wait3A_615 = tpu.memref_squeeze %dma_wait3A_614 : memref<1x128x64xf32, #tpu.memory_space<vmem>> -> memref<128x64xf32, #tpu.memory_space<vmem>>
          tpu.wait_dma2 semaphore(%arg18 : memref<!tpu.dma_semaphore, #tpu.memory_space<semaphore_mem>>) src(%dma_wait3A_615 : memref<128x64xf32, #tpu.memory_space<vmem>>) dst(%dma_wait3A_611 : memref<128x64xf32, #tpu.memory_space<hbm>>)
        } else {
        }
        %mul3A_592 = arith.constant 128 : i32
        %mul3A_593 = arith.muli %add3A_461, %mul3A_592 : i32
        %dma_start3A_594 = arith.constant 1 : i32
        %dma_start3A_595 = arith.constant 0 : i32
        %dma_start3A_596 = arith.constant 0 : i32
        %dma_start3A_597 = tpu.memref_slice %arg6[%dma_start3A_594, %dma_start3A_595, %dma_start3A_596] : memref<10x128x64xf32, #tpu.memory_space<vmem>> -> memref<1x128x64xf32, #tpu.memory_space<vmem>>
        %dma_start3A_598 = tpu.memref_squeeze %dma_start3A_597 : memref<1x128x64xf32, #tpu.memory_space<vmem>> -> memref<128x64xf32, #tpu.memory_space<vmem>>
        %dma_start3A_599 = tpu.memref_slice %arg5[%mul3A_593] : memref<6400xi32, #tpu.memory_space<vmem>> -> memref<128xi32, #tpu.memory_space<vmem>>
        %dma_start3A_600 = arith.constant 0 : i32
        %dma_start3A_601 = arith.constant 0 : i32
        %dma_start3A_602 = tpu.memref_slice %arg3[%dma_start3A_600, %dma_start3A_601] : memref<1000000x64xf32, #tpu.memory_space<hbm>> -> memref<1000000x64xf32, #tpu.memory_space<hbm>>
        tpu.enqueue_indirect_dma source(%dma_start3A_602 : memref<1000000x64xf32, #tpu.memory_space<hbm>>) target(%dma_start3A_598 : memref<128x64xf32, #tpu.memory_space<vmem>>) offsets(%dma_start3A_599 : memref<128xi32, #tpu.memory_space<vmem>>) semaphore(%arg8 : memref<!tpu.dma_semaphore, #tpu.memory_space<semaphore_mem>>)
      } else {
      }
      %add3A_467 = arith.constant 7 : i32
      %add3A_468 = arith.addi %add3A_189, %add3A_467 : i32
      %dma_wait3A_469 = arith.constant 7 : i32
      %dma_wait3A_470 = arith.constant 0 : i32
      %dma_wait3A_471 = arith.constant 0 : i32
      %dma_wait3A_472 = tpu.memref_slice %arg6[%dma_wait3A_469, %dma_wait3A_470, %dma_wait3A_471] : memref<10x128x64xf32, #tpu.memory_space<vmem>> -> memref<1x128x64xf32, #tpu.memory_space<vmem>>
      %dma_wait3A_473 = tpu.memref_squeeze %dma_wait3A_472 : memref<1x128x64xf32, #tpu.memory_space<vmem>> -> memref<128x64xf32, #tpu.memory_space<vmem>>
      %dma_wait3A_474 = arith.constant 0 : i32
      %dma_wait3A_475 = arith.constant 0 : i32
      %dma_wait3A_476 = tpu.memref_slice %arg3[%dma_wait3A_474, %dma_wait3A_475] : memref<1000000x64xf32, #tpu.memory_space<hbm>> -> memref<128x64xf32, #tpu.memory_space<hbm>>
      %dma_wait3A_477 = arith.constant 0 : i32
      %dma_wait3A_478 = arith.constant 0 : i32
      %dma_wait3A_479 = tpu.memref_slice %arg6[%dma_wait3A_469, %dma_wait3A_477, %dma_wait3A_478] : memref<10x128x64xf32, #tpu.memory_space<vmem>> -> memref<1x128x64xf32, #tpu.memory_space<vmem>>
      %dma_wait3A_480 = tpu.memref_squeeze %dma_wait3A_479 : memref<1x128x64xf32, #tpu.memory_space<vmem>> -> memref<128x64xf32, #tpu.memory_space<vmem>>
      %dma_wait3A_481 = arith.constant 0 : i32
      %dma_wait3A_482 = arith.constant 0 : i32
      %dma_wait3A_483 = tpu.memref_slice %arg3[%dma_wait3A_481, %dma_wait3A_482] : memref<1000000x64xf32, #tpu.memory_space<hbm>> -> memref<128x64xf32, #tpu.memory_space<hbm>>
      tpu.wait_dma2 semaphore(%arg14 : memref<!tpu.dma_semaphore, #tpu.memory_space<semaphore_mem>>) src(%dma_wait3A_483 : memref<128x64xf32, #tpu.memory_space<hbm>>) dst(%dma_wait3A_480 : memref<128x64xf32, #tpu.memory_space<vmem>>)
      %mul3A_484 = arith.constant 128 : i32
      %mul3A_485 = arith.muli %add3A_468, %mul3A_484 : i32
      %add3A_486 = arith.addi %mul3A_2, %mul3A_485 : i32
      %dma_start3A_487 = arith.constant 7 : i32
      %dma_start3A_488 = arith.constant 0 : i32
      %dma_start3A_489 = arith.constant 0 : i32
      %dma_start3A_490 = tpu.memref_slice %arg6[%dma_start3A_487, %dma_start3A_488, %dma_start3A_489] : memref<10x128x64xf32, #tpu.memory_space<vmem>> -> memref<1x128x64xf32, #tpu.memory_space<vmem>>
      %dma_start3A_491 = tpu.memref_squeeze %dma_start3A_490 : memref<1x128x64xf32, #tpu.memory_space<vmem>> -> memref<128x64xf32, #tpu.memory_space<vmem>>
      %dma_start3A_492 = arith.constant 0 : i32
      %dma_start3A_493 = tpu.memref_slice %arg4[%add3A_486, %dma_start3A_492] : memref<204800x64xf32, #tpu.memory_space<hbm>> -> memref<128x64xf32, #tpu.memory_space<hbm>>
      %dma_start3A_494 = arith.constant 0 : i32
      %dma_start3A_495 = tpu.memref_slice %arg4[%add3A_486, %dma_start3A_494] : memref<204800x64xf32, #tpu.memory_space<hbm>> -> memref<128x64xf32, #tpu.memory_space<hbm>>
      %dma_start3A_496 = arith.constant 0 : i32
      %dma_start3A_497 = arith.constant 0 : i32
      %dma_start3A_498 = tpu.memref_slice %arg6[%dma_start3A_487, %dma_start3A_496, %dma_start3A_497] : memref<10x128x64xf32, #tpu.memory_space<vmem>> -> memref<1x128x64xf32, #tpu.memory_space<vmem>>
      %dma_start3A_499 = tpu.memref_squeeze %dma_start3A_498 : memref<1x128x64xf32, #tpu.memory_space<vmem>> -> memref<128x64xf32, #tpu.memory_space<vmem>>
      tpu.enqueue_dma source(%dma_start3A_499 : memref<128x64xf32, #tpu.memory_space<vmem>>) target(%dma_start3A_495 : memref<128x64xf32, #tpu.memory_space<hbm>>) target_semaphore(%arg24 : memref<!tpu.dma_semaphore, #tpu.memory_space<semaphore_mem>>)
      %add3A_500 = arith.constant 5 : i32
      %add3A_501 = arith.addi %add3A_468, %add3A_500 : i32
      %lt3A_502 = arith.constant 50 : i32
      %lt3A_503 = arith.cmpi slt, %add3A_501, %lt3A_502 : i32
      %convert_element_type3A_504 = arith.extui %lt3A_503 : i1 to i32
      %cond3A_505 = arith.constant 0 : i32
      %cond3A_506 = arith.cmpi ne, %convert_element_type3A_504, %cond3A_505 : i32
      scf.if %cond3A_506 {
        %sub3A = arith.constant 10 : i32
        %sub3A_587 = arith.subi %add3A_501, %sub3A : i32
        %ge3A = arith.constant 0 : i32
        %ge3A_588 = arith.cmpi sge, %sub3A_587, %ge3A : i32
        %convert_element_type3A_589 = arith.extui %ge3A_588 : i1 to i32
        %cond3A_590 = arith.constant 0 : i32
        %cond3A_591 = arith.cmpi ne, %convert_element_type3A_589, %cond3A_590 : i32
        scf.if %cond3A_591 {
          %dma_wait3A_603 = arith.constant 2 : i32
          %dma_wait3A_604 = arith.constant 0 : i32
          %dma_wait3A_605 = arith.constant 0 : i32
          %dma_wait3A_606 = tpu.memref_slice %arg6[%dma_wait3A_603, %dma_wait3A_604, %dma_wait3A_605] : memref<10x128x64xf32, #tpu.memory_space<vmem>> -> memref<1x128x64xf32, #tpu.memory_space<vmem>>
          %dma_wait3A_607 = tpu.memref_squeeze %dma_wait3A_606 : memref<1x128x64xf32, #tpu.memory_space<vmem>> -> memref<128x64xf32, #tpu.memory_space<vmem>>
          %dma_wait3A_608 = arith.constant 0 : i32
          %dma_wait3A_609 = tpu.memref_slice %arg4[%mul3A_2, %dma_wait3A_608] : memref<204800x64xf32, #tpu.memory_space<hbm>> -> memref<128x64xf32, #tpu.memory_space<hbm>>
          %dma_wait3A_610 = arith.constant 0 : i32
          %dma_wait3A_611 = tpu.memref_slice %arg4[%mul3A_2, %dma_wait3A_610] : memref<204800x64xf32, #tpu.memory_space<hbm>> -> memref<128x64xf32, #tpu.memory_space<hbm>>
          %dma_wait3A_612 = arith.constant 0 : i32
          %dma_wait3A_613 = arith.constant 0 : i32
          %dma_wait3A_614 = tpu.memref_slice %arg6[%dma_wait3A_603, %dma_wait3A_612, %dma_wait3A_613] : memref<10x128x64xf32, #tpu.memory_space<vmem>> -> memref<1x128x64xf32, #tpu.memory_space<vmem>>
          %dma_wait3A_615 = tpu.memref_squeeze %dma_wait3A_614 : memref<1x128x64xf32, #tpu.memory_space<vmem>> -> memref<128x64xf32, #tpu.memory_space<vmem>>
          tpu.wait_dma2 semaphore(%arg19 : memref<!tpu.dma_semaphore, #tpu.memory_space<semaphore_mem>>) src(%dma_wait3A_615 : memref<128x64xf32, #tpu.memory_space<vmem>>) dst(%dma_wait3A_611 : memref<128x64xf32, #tpu.memory_space<hbm>>)
        } else {
        }
        %mul3A_592 = arith.constant 128 : i32
        %mul3A_593 = arith.muli %add3A_501, %mul3A_592 : i32
        %dma_start3A_594 = arith.constant 2 : i32
        %dma_start3A_595 = arith.constant 0 : i32
        %dma_start3A_596 = arith.constant 0 : i32
        %dma_start3A_597 = tpu.memref_slice %arg6[%dma_start3A_594, %dma_start3A_595, %dma_start3A_596] : memref<10x128x64xf32, #tpu.memory_space<vmem>> -> memref<1x128x64xf32, #tpu.memory_space<vmem>>
        %dma_start3A_598 = tpu.memref_squeeze %dma_start3A_597 : memref<1x128x64xf32, #tpu.memory_space<vmem>> -> memref<128x64xf32, #tpu.memory_space<vmem>>
        %dma_start3A_599 = tpu.memref_slice %arg5[%mul3A_593] : memref<6400xi32, #tpu.memory_space<vmem>> -> memref<128xi32, #tpu.memory_space<vmem>>
        %dma_start3A_600 = arith.constant 0 : i32
        %dma_start3A_601 = arith.constant 0 : i32
        %dma_start3A_602 = tpu.memref_slice %arg3[%dma_start3A_600, %dma_start3A_601] : memref<1000000x64xf32, #tpu.memory_space<hbm>> -> memref<1000000x64xf32, #tpu.memory_space<hbm>>
        tpu.enqueue_indirect_dma source(%dma_start3A_602 : memref<1000000x64xf32, #tpu.memory_space<hbm>>) target(%dma_start3A_598 : memref<128x64xf32, #tpu.memory_space<vmem>>) offsets(%dma_start3A_599 : memref<128xi32, #tpu.memory_space<vmem>>) semaphore(%arg9 : memref<!tpu.dma_semaphore, #tpu.memory_space<semaphore_mem>>)
      } else {
      }
      %add3A_507 = arith.constant 8 : i32
      %add3A_508 = arith.addi %add3A_189, %add3A_507 : i32
      %dma_wait3A_509 = arith.constant 8 : i32
      %dma_wait3A_510 = arith.constant 0 : i32
      %dma_wait3A_511 = arith.constant 0 : i32
      %dma_wait3A_512 = tpu.memref_slice %arg6[%dma_wait3A_509, %dma_wait3A_510, %dma_wait3A_511] : memref<10x128x64xf32, #tpu.memory_space<vmem>> -> memref<1x128x64xf32, #tpu.memory_space<vmem>>
      %dma_wait3A_513 = tpu.memref_squeeze %dma_wait3A_512 : memref<1x128x64xf32, #tpu.memory_space<vmem>> -> memref<128x64xf32, #tpu.memory_space<vmem>>
      %dma_wait3A_514 = arith.constant 0 : i32
      %dma_wait3A_515 = arith.constant 0 : i32
      %dma_wait3A_516 = tpu.memref_slice %arg3[%dma_wait3A_514, %dma_wait3A_515] : memref<1000000x64xf32, #tpu.memory_space<hbm>> -> memref<128x64xf32, #tpu.memory_space<hbm>>
      %dma_wait3A_517 = arith.constant 0 : i32
      %dma_wait3A_518 = arith.constant 0 : i32
      %dma_wait3A_519 = tpu.memref_slice %arg6[%dma_wait3A_509, %dma_wait3A_517, %dma_wait3A_518] : memref<10x128x64xf32, #tpu.memory_space<vmem>> -> memref<1x128x64xf32, #tpu.memory_space<vmem>>
      %dma_wait3A_520 = tpu.memref_squeeze %dma_wait3A_519 : memref<1x128x64xf32, #tpu.memory_space<vmem>> -> memref<128x64xf32, #tpu.memory_space<vmem>>
      %dma_wait3A_521 = arith.constant 0 : i32
      %dma_wait3A_522 = arith.constant 0 : i32
      %dma_wait3A_523 = tpu.memref_slice %arg3[%dma_wait3A_521, %dma_wait3A_522] : memref<1000000x64xf32, #tpu.memory_space<hbm>> -> memref<128x64xf32, #tpu.memory_space<hbm>>
      tpu.wait_dma2 semaphore(%arg15 : memref<!tpu.dma_semaphore, #tpu.memory_space<semaphore_mem>>) src(%dma_wait3A_523 : memref<128x64xf32, #tpu.memory_space<hbm>>) dst(%dma_wait3A_520 : memref<128x64xf32, #tpu.memory_space<vmem>>)
      %mul3A_524 = arith.constant 128 : i32
      %mul3A_525 = arith.muli %add3A_508, %mul3A_524 : i32
      %add3A_526 = arith.addi %mul3A_2, %mul3A_525 : i32
      %dma_start3A_527 = arith.constant 8 : i32
      %dma_start3A_528 = arith.constant 0 : i32
      %dma_start3A_529 = arith.constant 0 : i32
      %dma_start3A_530 = tpu.memref_slice %arg6[%dma_start3A_527, %dma_start3A_528, %dma_start3A_529] : memref<10x128x64xf32, #tpu.memory_space<vmem>> -> memref<1x128x64xf32, #tpu.memory_space<vmem>>
      %dma_start3A_531 = tpu.memref_squeeze %dma_start3A_530 : memref<1x128x64xf32, #tpu.memory_space<vmem>> -> memref<128x64xf32, #tpu.memory_space<vmem>>
      %dma_start3A_532 = arith.constant 0 : i32
      %dma_start3A_533 = tpu.memref_slice %arg4[%add3A_526, %dma_start3A_532] : memref<204800x64xf32, #tpu.memory_space<hbm>> -> memref<128x64xf32, #tpu.memory_space<hbm>>
      %dma_start3A_534 = arith.constant 0 : i32
      %dma_start3A_535 = tpu.memref_slice %arg4[%add3A_526, %dma_start3A_534] : memref<204800x64xf32, #tpu.memory_space<hbm>> -> memref<128x64xf32, #tpu.memory_space<hbm>>
      %dma_start3A_536 = arith.constant 0 : i32
      %dma_start3A_537 = arith.constant 0 : i32
      %dma_start3A_538 = tpu.memref_slice %arg6[%dma_start3A_527, %dma_start3A_536, %dma_start3A_537] : memref<10x128x64xf32, #tpu.memory_space<vmem>> -> memref<1x128x64xf32, #tpu.memory_space<vmem>>
      %dma_start3A_539 = tpu.memref_squeeze %dma_start3A_538 : memref<1x128x64xf32, #tpu.memory_space<vmem>> -> memref<128x64xf32, #tpu.memory_space<vmem>>
      tpu.enqueue_dma source(%dma_start3A_539 : memref<128x64xf32, #tpu.memory_space<vmem>>) target(%dma_start3A_535 : memref<128x64xf32, #tpu.memory_space<hbm>>) target_semaphore(%arg25 : memref<!tpu.dma_semaphore, #tpu.memory_space<semaphore_mem>>)
      %add3A_540 = arith.constant 5 : i32
      %add3A_541 = arith.addi %add3A_508, %add3A_540 : i32
      %lt3A_542 = arith.constant 50 : i32
      %lt3A_543 = arith.cmpi slt, %add3A_541, %lt3A_542 : i32
      %convert_element_type3A_544 = arith.extui %lt3A_543 : i1 to i32
      %cond3A_545 = arith.constant 0 : i32
      %cond3A_546 = arith.cmpi ne, %convert_element_type3A_544, %cond3A_545 : i32
      scf.if %cond3A_546 {
        %sub3A = arith.constant 10 : i32
        %sub3A_587 = arith.subi %add3A_541, %sub3A : i32
        %ge3A = arith.constant 0 : i32
        %ge3A_588 = arith.cmpi sge, %sub3A_587, %ge3A : i32
        %convert_element_type3A_589 = arith.extui %ge3A_588 : i1 to i32
        %cond3A_590 = arith.constant 0 : i32
        %cond3A_591 = arith.cmpi ne, %convert_element_type3A_589, %cond3A_590 : i32
        scf.if %cond3A_591 {
          %dma_wait3A_603 = arith.constant 3 : i32
          %dma_wait3A_604 = arith.constant 0 : i32
          %dma_wait3A_605 = arith.constant 0 : i32
          %dma_wait3A_606 = tpu.memref_slice %arg6[%dma_wait3A_603, %dma_wait3A_604, %dma_wait3A_605] : memref<10x128x64xf32, #tpu.memory_space<vmem>> -> memref<1x128x64xf32, #tpu.memory_space<vmem>>
          %dma_wait3A_607 = tpu.memref_squeeze %dma_wait3A_606 : memref<1x128x64xf32, #tpu.memory_space<vmem>> -> memref<128x64xf32, #tpu.memory_space<vmem>>
          %dma_wait3A_608 = arith.constant 0 : i32
          %dma_wait3A_609 = tpu.memref_slice %arg4[%mul3A_2, %dma_wait3A_608] : memref<204800x64xf32, #tpu.memory_space<hbm>> -> memref<128x64xf32, #tpu.memory_space<hbm>>
          %dma_wait3A_610 = arith.constant 0 : i32
          %dma_wait3A_611 = tpu.memref_slice %arg4[%mul3A_2, %dma_wait3A_610] : memref<204800x64xf32, #tpu.memory_space<hbm>> -> memref<128x64xf32, #tpu.memory_space<hbm>>
          %dma_wait3A_612 = arith.constant 0 : i32
          %dma_wait3A_613 = arith.constant 0 : i32
          %dma_wait3A_614 = tpu.memref_slice %arg6[%dma_wait3A_603, %dma_wait3A_612, %dma_wait3A_613] : memref<10x128x64xf32, #tpu.memory_space<vmem>> -> memref<1x128x64xf32, #tpu.memory_space<vmem>>
          %dma_wait3A_615 = tpu.memref_squeeze %dma_wait3A_614 : memref<1x128x64xf32, #tpu.memory_space<vmem>> -> memref<128x64xf32, #tpu.memory_space<vmem>>
          tpu.wait_dma2 semaphore(%arg20 : memref<!tpu.dma_semaphore, #tpu.memory_space<semaphore_mem>>) src(%dma_wait3A_615 : memref<128x64xf32, #tpu.memory_space<vmem>>) dst(%dma_wait3A_611 : memref<128x64xf32, #tpu.memory_space<hbm>>)
        } else {
        }
        %mul3A_592 = arith.constant 128 : i32
        %mul3A_593 = arith.muli %add3A_541, %mul3A_592 : i32
        %dma_start3A_594 = arith.constant 3 : i32
        %dma_start3A_595 = arith.constant 0 : i32
        %dma_start3A_596 = arith.constant 0 : i32
        %dma_start3A_597 = tpu.memref_slice %arg6[%dma_start3A_594, %dma_start3A_595, %dma_start3A_596] : memref<10x128x64xf32, #tpu.memory_space<vmem>> -> memref<1x128x64xf32, #tpu.memory_space<vmem>>
        %dma_start3A_598 = tpu.memref_squeeze %dma_start3A_597 : memref<1x128x64xf32, #tpu.memory_space<vmem>> -> memref<128x64xf32, #tpu.memory_space<vmem>>
        %dma_start3A_599 = tpu.memref_slice %arg5[%mul3A_593] : memref<6400xi32, #tpu.memory_space<vmem>> -> memref<128xi32, #tpu.memory_space<vmem>>
        %dma_start3A_600 = arith.constant 0 : i32
        %dma_start3A_601 = arith.constant 0 : i32
        %dma_start3A_602 = tpu.memref_slice %arg3[%dma_start3A_600, %dma_start3A_601] : memref<1000000x64xf32, #tpu.memory_space<hbm>> -> memref<1000000x64xf32, #tpu.memory_space<hbm>>
        tpu.enqueue_indirect_dma source(%dma_start3A_602 : memref<1000000x64xf32, #tpu.memory_space<hbm>>) target(%dma_start3A_598 : memref<128x64xf32, #tpu.memory_space<vmem>>) offsets(%dma_start3A_599 : memref<128xi32, #tpu.memory_space<vmem>>) semaphore(%arg10 : memref<!tpu.dma_semaphore, #tpu.memory_space<semaphore_mem>>)
      } else {
      }
      %add3A_547 = arith.constant 9 : i32
      %add3A_548 = arith.addi %add3A_189, %add3A_547 : i32
      %dma_wait3A_549 = arith.constant 9 : i32
      %dma_wait3A_550 = arith.constant 0 : i32
      %dma_wait3A_551 = arith.constant 0 : i32
      %dma_wait3A_552 = tpu.memref_slice %arg6[%dma_wait3A_549, %dma_wait3A_550, %dma_wait3A_551] : memref<10x128x64xf32, #tpu.memory_space<vmem>> -> memref<1x128x64xf32, #tpu.memory_space<vmem>>
      %dma_wait3A_553 = tpu.memref_squeeze %dma_wait3A_552 : memref<1x128x64xf32, #tpu.memory_space<vmem>> -> memref<128x64xf32, #tpu.memory_space<vmem>>
      %dma_wait3A_554 = arith.constant 0 : i32
      %dma_wait3A_555 = arith.constant 0 : i32
      %dma_wait3A_556 = tpu.memref_slice %arg3[%dma_wait3A_554, %dma_wait3A_555] : memref<1000000x64xf32, #tpu.memory_space<hbm>> -> memref<128x64xf32, #tpu.memory_space<hbm>>
      %dma_wait3A_557 = arith.constant 0 : i32
      %dma_wait3A_558 = arith.constant 0 : i32
      %dma_wait3A_559 = tpu.memref_slice %arg6[%dma_wait3A_549, %dma_wait3A_557, %dma_wait3A_558] : memref<10x128x64xf32, #tpu.memory_space<vmem>> -> memref<1x128x64xf32, #tpu.memory_space<vmem>>
      %dma_wait3A_560 = tpu.memref_squeeze %dma_wait3A_559 : memref<1x128x64xf32, #tpu.memory_space<vmem>> -> memref<128x64xf32, #tpu.memory_space<vmem>>
      %dma_wait3A_561 = arith.constant 0 : i32
      %dma_wait3A_562 = arith.constant 0 : i32
      %dma_wait3A_563 = tpu.memref_slice %arg3[%dma_wait3A_561, %dma_wait3A_562] : memref<1000000x64xf32, #tpu.memory_space<hbm>> -> memref<128x64xf32, #tpu.memory_space<hbm>>
      tpu.wait_dma2 semaphore(%arg16 : memref<!tpu.dma_semaphore, #tpu.memory_space<semaphore_mem>>) src(%dma_wait3A_563 : memref<128x64xf32, #tpu.memory_space<hbm>>) dst(%dma_wait3A_560 : memref<128x64xf32, #tpu.memory_space<vmem>>)
      %mul3A_564 = arith.constant 128 : i32
      %mul3A_565 = arith.muli %add3A_548, %mul3A_564 : i32
      %add3A_566 = arith.addi %mul3A_2, %mul3A_565 : i32
      %dma_start3A_567 = arith.constant 9 : i32
      %dma_start3A_568 = arith.constant 0 : i32
      %dma_start3A_569 = arith.constant 0 : i32
      %dma_start3A_570 = tpu.memref_slice %arg6[%dma_start3A_567, %dma_start3A_568, %dma_start3A_569] : memref<10x128x64xf32, #tpu.memory_space<vmem>> -> memref<1x128x64xf32, #tpu.memory_space<vmem>>
      %dma_start3A_571 = tpu.memref_squeeze %dma_start3A_570 : memref<1x128x64xf32, #tpu.memory_space<vmem>> -> memref<128x64xf32, #tpu.memory_space<vmem>>
      %dma_start3A_572 = arith.constant 0 : i32
      %dma_start3A_573 = tpu.memref_slice %arg4[%add3A_566, %dma_start3A_572] : memref<204800x64xf32, #tpu.memory_space<hbm>> -> memref<128x64xf32, #tpu.memory_space<hbm>>
      %dma_start3A_574 = arith.constant 0 : i32
      %dma_start3A_575 = tpu.memref_slice %arg4[%add3A_566, %dma_start3A_574] : memref<204800x64xf32, #tpu.memory_space<hbm>> -> memref<128x64xf32, #tpu.memory_space<hbm>>
      %dma_start3A_576 = arith.constant 0 : i32
      %dma_start3A_577 = arith.constant 0 : i32
      %dma_start3A_578 = tpu.memref_slice %arg6[%dma_start3A_567, %dma_start3A_576, %dma_start3A_577] : memref<10x128x64xf32, #tpu.memory_space<vmem>> -> memref<1x128x64xf32, #tpu.memory_space<vmem>>
      %dma_start3A_579 = tpu.memref_squeeze %dma_start3A_578 : memref<1x128x64xf32, #tpu.memory_space<vmem>> -> memref<128x64xf32, #tpu.memory_space<vmem>>
      tpu.enqueue_dma source(%dma_start3A_579 : memref<128x64xf32, #tpu.memory_space<vmem>>) target(%dma_start3A_575 : memref<128x64xf32, #tpu.memory_space<hbm>>) target_semaphore(%arg26 : memref<!tpu.dma_semaphore, #tpu.memory_space<semaphore_mem>>)
      %add3A_580 = arith.constant 5 : i32
      %add3A_581 = arith.addi %add3A_548, %add3A_580 : i32
      %lt3A_582 = arith.constant 50 : i32
      %lt3A_583 = arith.cmpi slt, %add3A_581, %lt3A_582 : i32
      %convert_element_type3A_584 = arith.extui %lt3A_583 : i1 to i32
      %cond3A_585 = arith.constant 0 : i32
      %cond3A_586 = arith.cmpi ne, %convert_element_type3A_584, %cond3A_585 : i32
      scf.if %cond3A_586 {
        %sub3A = arith.constant 10 : i32
        %sub3A_587 = arith.subi %add3A_581, %sub3A : i32
        %ge3A = arith.constant 0 : i32
        %ge3A_588 = arith.cmpi sge, %sub3A_587, %ge3A : i32
        %convert_element_type3A_589 = arith.extui %ge3A_588 : i1 to i32
        %cond3A_590 = arith.constant 0 : i32
        %cond3A_591 = arith.cmpi ne, %convert_element_type3A_589, %cond3A_590 : i32
        scf.if %cond3A_591 {
          %dma_wait3A_603 = arith.constant 4 : i32
          %dma_wait3A_604 = arith.constant 0 : i32
          %dma_wait3A_605 = arith.constant 0 : i32
          %dma_wait3A_606 = tpu.memref_slice %arg6[%dma_wait3A_603, %dma_wait3A_604, %dma_wait3A_605] : memref<10x128x64xf32, #tpu.memory_space<vmem>> -> memref<1x128x64xf32, #tpu.memory_space<vmem>>
          %dma_wait3A_607 = tpu.memref_squeeze %dma_wait3A_606 : memref<1x128x64xf32, #tpu.memory_space<vmem>> -> memref<128x64xf32, #tpu.memory_space<vmem>>
          %dma_wait3A_608 = arith.constant 0 : i32
          %dma_wait3A_609 = tpu.memref_slice %arg4[%mul3A_2, %dma_wait3A_608] : memref<204800x64xf32, #tpu.memory_space<hbm>> -> memref<128x64xf32, #tpu.memory_space<hbm>>
          %dma_wait3A_610 = arith.constant 0 : i32
          %dma_wait3A_611 = tpu.memref_slice %arg4[%mul3A_2, %dma_wait3A_610] : memref<204800x64xf32, #tpu.memory_space<hbm>> -> memref<128x64xf32, #tpu.memory_space<hbm>>
          %dma_wait3A_612 = arith.constant 0 : i32
          %dma_wait3A_613 = arith.constant 0 : i32
          %dma_wait3A_614 = tpu.memref_slice %arg6[%dma_wait3A_603, %dma_wait3A_612, %dma_wait3A_613] : memref<10x128x64xf32, #tpu.memory_space<vmem>> -> memref<1x128x64xf32, #tpu.memory_space<vmem>>
          %dma_wait3A_615 = tpu.memref_squeeze %dma_wait3A_614 : memref<1x128x64xf32, #tpu.memory_space<vmem>> -> memref<128x64xf32, #tpu.memory_space<vmem>>
          tpu.wait_dma2 semaphore(%arg21 : memref<!tpu.dma_semaphore, #tpu.memory_space<semaphore_mem>>) src(%dma_wait3A_615 : memref<128x64xf32, #tpu.memory_space<vmem>>) dst(%dma_wait3A_611 : memref<128x64xf32, #tpu.memory_space<hbm>>)
        } else {
        }
        %mul3A_592 = arith.constant 128 : i32
        %mul3A_593 = arith.muli %add3A_581, %mul3A_592 : i32
        %dma_start3A_594 = arith.constant 4 : i32
        %dma_start3A_595 = arith.constant 0 : i32
        %dma_start3A_596 = arith.constant 0 : i32
        %dma_start3A_597 = tpu.memref_slice %arg6[%dma_start3A_594, %dma_start3A_595, %dma_start3A_596] : memref<10x128x64xf32, #tpu.memory_space<vmem>> -> memref<1x128x64xf32, #tpu.memory_space<vmem>>
        %dma_start3A_598 = tpu.memref_squeeze %dma_start3A_597 : memref<1x128x64xf32, #tpu.memory_space<vmem>> -> memref<128x64xf32, #tpu.memory_space<vmem>>
        %dma_start3A_599 = tpu.memref_slice %arg5[%mul3A_593] : memref<6400xi32, #tpu.memory_space<vmem>> -> memref<128xi32, #tpu.memory_space<vmem>>
        %dma_start3A_600 = arith.constant 0 : i32
        %dma_start3A_601 = arith.constant 0 : i32
        %dma_start3A_602 = tpu.memref_slice %arg3[%dma_start3A_600, %dma_start3A_601] : memref<1000000x64xf32, #tpu.memory_space<hbm>> -> memref<1000000x64xf32, #tpu.memory_space<hbm>>
        tpu.enqueue_indirect_dma source(%dma_start3A_602 : memref<1000000x64xf32, #tpu.memory_space<hbm>>) target(%dma_start3A_598 : memref<128x64xf32, #tpu.memory_space<vmem>>) offsets(%dma_start3A_599 : memref<128xi32, #tpu.memory_space<vmem>>) semaphore(%arg11 : memref<!tpu.dma_semaphore, #tpu.memory_space<semaphore_mem>>)
      } else {
      }
    }
    %scan3A_55 = arith.constant 5 : i32
    %dma_wait3A = arith.constant 0 : i32
    %dma_wait3A_56 = arith.constant 0 : i32
    %dma_wait3A_57 = arith.constant 0 : i32
    %dma_wait3A_58 = tpu.memref_slice %arg6[%dma_wait3A, %dma_wait3A_56, %dma_wait3A_57] : memref<10x128x64xf32, #tpu.memory_space<vmem>> -> memref<1x128x64xf32, #tpu.memory_space<vmem>>
    %dma_wait3A_59 = tpu.memref_squeeze %dma_wait3A_58 : memref<1x128x64xf32, #tpu.memory_space<vmem>> -> memref<128x64xf32, #tpu.memory_space<vmem>>
    %dma_wait3A_60 = arith.constant 0 : i32
    %dma_wait3A_61 = tpu.memref_slice %arg4[%mul3A_2, %dma_wait3A_60] : memref<204800x64xf32, #tpu.memory_space<hbm>> -> memref<128x64xf32, #tpu.memory_space<hbm>>
    %dma_wait3A_62 = arith.constant 0 : i32
    %dma_wait3A_63 = tpu.memref_slice %arg4[%mul3A_2, %dma_wait3A_62] : memref<204800x64xf32, #tpu.memory_space<hbm>> -> memref<128x64xf32, #tpu.memory_space<hbm>>
    %dma_wait3A_64 = arith.constant 0 : i32
    %dma_wait3A_65 = arith.constant 0 : i32
    %dma_wait3A_66 = tpu.memref_slice %arg6[%dma_wait3A, %dma_wait3A_64, %dma_wait3A_65] : memref<10x128x64xf32, #tpu.memory_space<vmem>> -> memref<1x128x64xf32, #tpu.memory_space<vmem>>
    %dma_wait3A_67 = tpu.memref_squeeze %dma_wait3A_66 : memref<1x128x64xf32, #tpu.memory_space<vmem>> -> memref<128x64xf32, #tpu.memory_space<vmem>>
    tpu.wait_dma2 semaphore(%arg17 : memref<!tpu.dma_semaphore, #tpu.memory_space<semaphore_mem>>) src(%dma_wait3A_67 : memref<128x64xf32, #tpu.memory_space<vmem>>) dst(%dma_wait3A_63 : memref<128x64xf32, #tpu.memory_space<hbm>>)
    %dma_wait3A_68 = arith.constant 1 : i32
    %dma_wait3A_69 = arith.constant 0 : i32
    %dma_wait3A_70 = arith.constant 0 : i32
    %dma_wait3A_71 = tpu.memref_slice %arg6[%dma_wait3A_68, %dma_wait3A_69, %dma_wait3A_70] : memref<10x128x64xf32, #tpu.memory_space<vmem>> -> memref<1x128x64xf32, #tpu.memory_space<vmem>>
    %dma_wait3A_72 = tpu.memref_squeeze %dma_wait3A_71 : memref<1x128x64xf32, #tpu.memory_space<vmem>> -> memref<128x64xf32, #tpu.memory_space<vmem>>
    %dma_wait3A_73 = arith.constant 0 : i32
    %dma_wait3A_74 = tpu.memref_slice %arg4[%mul3A_2, %dma_wait3A_73] : memref<204800x64xf32, #tpu.memory_space<hbm>> -> memref<128x64xf32, #tpu.memory_space<hbm>>
    %dma_wait3A_75 = arith.constant 0 : i32
    %dma_wait3A_76 = tpu.memref_slice %arg4[%mul3A_2, %dma_wait3A_75] : memref<204800x64xf32, #tpu.memory_space<hbm>> -> memref<128x64xf32, #tpu.memory_space<hbm>>
    %dma_wait3A_77 = arith.constant 0 : i32
    %dma_wait3A_78 = arith.constant 0 : i32
    %dma_wait3A_79 = tpu.memref_slice %arg6[%dma_wait3A_68, %dma_wait3A_77, %dma_wait3A_78] : memref<10x128x64xf32, #tpu.memory_space<vmem>> -> memref<1x128x64xf32, #tpu.memory_space<vmem>>
    %dma_wait3A_80 = tpu.memref_squeeze %dma_wait3A_79 : memref<1x128x64xf32, #tpu.memory_space<vmem>> -> memref<128x64xf32, #tpu.memory_space<vmem>>
    tpu.wait_dma2 semaphore(%arg18 : memref<!tpu.dma_semaphore, #tpu.memory_space<semaphore_mem>>) src(%dma_wait3A_80 : memref<128x64xf32, #tpu.memory_space<vmem>>) dst(%dma_wait3A_76 : memref<128x64xf32, #tpu.memory_space<hbm>>)
    %dma_wait3A_81 = arith.constant 2 : i32
    %dma_wait3A_82 = arith.constant 0 : i32
    %dma_wait3A_83 = arith.constant 0 : i32
    %dma_wait3A_84 = tpu.memref_slice %arg6[%dma_wait3A_81, %dma_wait3A_82, %dma_wait3A_83] : memref<10x128x64xf32, #tpu.memory_space<vmem>> -> memref<1x128x64xf32, #tpu.memory_space<vmem>>
    %dma_wait3A_85 = tpu.memref_squeeze %dma_wait3A_84 : memref<1x128x64xf32, #tpu.memory_space<vmem>> -> memref<128x64xf32, #tpu.memory_space<vmem>>
    %dma_wait3A_86 = arith.constant 0 : i32
    %dma_wait3A_87 = tpu.memref_slice %arg4[%mul3A_2, %dma_wait3A_86] : memref<204800x64xf32, #tpu.memory_space<hbm>> -> memref<128x64xf32, #tpu.memory_space<hbm>>
    %dma_wait3A_88 = arith.constant 0 : i32
    %dma_wait3A_89 = tpu.memref_slice %arg4[%mul3A_2, %dma_wait3A_88] : memref<204800x64xf32, #tpu.memory_space<hbm>> -> memref<128x64xf32, #tpu.memory_space<hbm>>
    %dma_wait3A_90 = arith.constant 0 : i32
    %dma_wait3A_91 = arith.constant 0 : i32
    %dma_wait3A_92 = tpu.memref_slice %arg6[%dma_wait3A_81, %dma_wait3A_90, %dma_wait3A_91] : memref<10x128x64xf32, #tpu.memory_space<vmem>> -> memref<1x128x64xf32, #tpu.memory_space<vmem>>
    %dma_wait3A_93 = tpu.memref_squeeze %dma_wait3A_92 : memref<1x128x64xf32, #tpu.memory_space<vmem>> -> memref<128x64xf32, #tpu.memory_space<vmem>>
    tpu.wait_dma2 semaphore(%arg19 : memref<!tpu.dma_semaphore, #tpu.memory_space<semaphore_mem>>) src(%dma_wait3A_93 : memref<128x64xf32, #tpu.memory_space<vmem>>) dst(%dma_wait3A_89 : memref<128x64xf32, #tpu.memory_space<hbm>>)
    %dma_wait3A_94 = arith.constant 3 : i32
    %dma_wait3A_95 = arith.constant 0 : i32
    %dma_wait3A_96 = arith.constant 0 : i32
    %dma_wait3A_97 = tpu.memref_slice %arg6[%dma_wait3A_94, %dma_wait3A_95, %dma_wait3A_96] : memref<10x128x64xf32, #tpu.memory_space<vmem>> -> memref<1x128x64xf32, #tpu.memory_space<vmem>>
    %dma_wait3A_98 = tpu.memref_squeeze %dma_wait3A_97 : memref<1x128x64xf32, #tpu.memory_space<vmem>> -> memref<128x64xf32, #tpu.memory_space<vmem>>
    %dma_wait3A_99 = arith.constant 0 : i32
    %dma_wait3A_100 = tpu.memref_slice %arg4[%mul3A_2, %dma_wait3A_99] : memref<204800x64xf32, #tpu.memory_space<hbm>> -> memref<128x64xf32, #tpu.memory_space<hbm>>
    %dma_wait3A_101 = arith.constant 0 : i32
    %dma_wait3A_102 = tpu.memref_slice %arg4[%mul3A_2, %dma_wait3A_101] : memref<204800x64xf32, #tpu.memory_space<hbm>> -> memref<128x64xf32, #tpu.memory_space<hbm>>
    %dma_wait3A_103 = arith.constant 0 : i32
    %dma_wait3A_104 = arith.constant 0 : i32
    %dma_wait3A_105 = tpu.memref_slice %arg6[%dma_wait3A_94, %dma_wait3A_103, %dma_wait3A_104] : memref<10x128x64xf32, #tpu.memory_space<vmem>> -> memref<1x128x64xf32, #tpu.memory_space<vmem>>
    %dma_wait3A_106 = tpu.memref_squeeze %dma_wait3A_105 : memref<1x128x64xf32, #tpu.memory_space<vmem>> -> memref<128x64xf32, #tpu.memory_space<vmem>>
    tpu.wait_dma2 semaphore(%arg20 : memref<!tpu.dma_semaphore, #tpu.memory_space<semaphore_mem>>) src(%dma_wait3A_106 : memref<128x64xf32, #tpu.memory_space<vmem>>) dst(%dma_wait3A_102 : memref<128x64xf32, #tpu.memory_space<hbm>>)
    %dma_wait3A_107 = arith.constant 4 : i32
    %dma_wait3A_108 = arith.constant 0 : i32
    %dma_wait3A_109 = arith.constant 0 : i32
    %dma_wait3A_110 = tpu.memref_slice %arg6[%dma_wait3A_107, %dma_wait3A_108, %dma_wait3A_109] : memref<10x128x64xf32, #tpu.memory_space<vmem>> -> memref<1x128x64xf32, #tpu.memory_space<vmem>>
    %dma_wait3A_111 = tpu.memref_squeeze %dma_wait3A_110 : memref<1x128x64xf32, #tpu.memory_space<vmem>> -> memref<128x64xf32, #tpu.memory_space<vmem>>
    %dma_wait3A_112 = arith.constant 0 : i32
    %dma_wait3A_113 = tpu.memref_slice %arg4[%mul3A_2, %dma_wait3A_112] : memref<204800x64xf32, #tpu.memory_space<hbm>> -> memref<128x64xf32, #tpu.memory_space<hbm>>
    %dma_wait3A_114 = arith.constant 0 : i32
    %dma_wait3A_115 = tpu.memref_slice %arg4[%mul3A_2, %dma_wait3A_114] : memref<204800x64xf32, #tpu.memory_space<hbm>> -> memref<128x64xf32, #tpu.memory_space<hbm>>
    %dma_wait3A_116 = arith.constant 0 : i32
    %dma_wait3A_117 = arith.constant 0 : i32
    %dma_wait3A_118 = tpu.memref_slice %arg6[%dma_wait3A_107, %dma_wait3A_116, %dma_wait3A_117] : memref<10x128x64xf32, #tpu.memory_space<vmem>> -> memref<1x128x64xf32, #tpu.memory_space<vmem>>
    %dma_wait3A_119 = tpu.memref_squeeze %dma_wait3A_118 : memref<1x128x64xf32, #tpu.memory_space<vmem>> -> memref<128x64xf32, #tpu.memory_space<vmem>>
    tpu.wait_dma2 semaphore(%arg21 : memref<!tpu.dma_semaphore, #tpu.memory_space<semaphore_mem>>) src(%dma_wait3A_119 : memref<128x64xf32, #tpu.memory_space<vmem>>) dst(%dma_wait3A_115 : memref<128x64xf32, #tpu.memory_space<hbm>>)
    %dma_wait3A_120 = arith.constant 5 : i32
    %dma_wait3A_121 = arith.constant 0 : i32
    %dma_wait3A_122 = arith.constant 0 : i32
    %dma_wait3A_123 = tpu.memref_slice %arg6[%dma_wait3A_120, %dma_wait3A_121, %dma_wait3A_122] : memref<10x128x64xf32, #tpu.memory_space<vmem>> -> memref<1x128x64xf32, #tpu.memory_space<vmem>>
    %dma_wait3A_124 = tpu.memref_squeeze %dma_wait3A_123 : memref<1x128x64xf32, #tpu.memory_space<vmem>> -> memref<128x64xf32, #tpu.memory_space<vmem>>
    %dma_wait3A_125 = arith.constant 0 : i32
    %dma_wait3A_126 = tpu.memref_slice %arg4[%mul3A_2, %dma_wait3A_125] : memref<204800x64xf32, #tpu.memory_space<hbm>> -> memref<128x64xf32, #tpu.memory_space<hbm>>
    %dma_wait3A_127 = arith.constant 0 : i32
    %dma_wait3A_128 = tpu.memref_slice %arg4[%mul3A_2, %dma_wait3A_127] : memref<204800x64xf32, #tpu.memory_space<hbm>> -> memref<128x64xf32, #tpu.memory_space<hbm>>
    %dma_wait3A_129 = arith.constant 0 : i32
    %dma_wait3A_130 = arith.constant 0 : i32
    %dma_wait3A_131 = tpu.memref_slice %arg6[%dma_wait3A_120, %dma_wait3A_129, %dma_wait3A_130] : memref<10x128x64xf32, #tpu.memory_space<vmem>> -> memref<1x128x64xf32, #tpu.memory_space<vmem>>
    %dma_wait3A_132 = tpu.memref_squeeze %dma_wait3A_131 : memref<1x128x64xf32, #tpu.memory_space<vmem>> -> memref<128x64xf32, #tpu.memory_space<vmem>>
    tpu.wait_dma2 semaphore(%arg22 : memref<!tpu.dma_semaphore, #tpu.memory_space<semaphore_mem>>) src(%dma_wait3A_132 : memref<128x64xf32, #tpu.memory_space<vmem>>) dst(%dma_wait3A_128 : memref<128x64xf32, #tpu.memory_space<hbm>>)
    %dma_wait3A_133 = arith.constant 6 : i32
    %dma_wait3A_134 = arith.constant 0 : i32
    %dma_wait3A_135 = arith.constant 0 : i32
    %dma_wait3A_136 = tpu.memref_slice %arg6[%dma_wait3A_133, %dma_wait3A_134, %dma_wait3A_135] : memref<10x128x64xf32, #tpu.memory_space<vmem>> -> memref<1x128x64xf32, #tpu.memory_space<vmem>>
    %dma_wait3A_137 = tpu.memref_squeeze %dma_wait3A_136 : memref<1x128x64xf32, #tpu.memory_space<vmem>> -> memref<128x64xf32, #tpu.memory_space<vmem>>
    %dma_wait3A_138 = arith.constant 0 : i32
    %dma_wait3A_139 = tpu.memref_slice %arg4[%mul3A_2, %dma_wait3A_138] : memref<204800x64xf32, #tpu.memory_space<hbm>> -> memref<128x64xf32, #tpu.memory_space<hbm>>
    %dma_wait3A_140 = arith.constant 0 : i32
    %dma_wait3A_141 = tpu.memref_slice %arg4[%mul3A_2, %dma_wait3A_140] : memref<204800x64xf32, #tpu.memory_space<hbm>> -> memref<128x64xf32, #tpu.memory_space<hbm>>
    %dma_wait3A_142 = arith.constant 0 : i32
    %dma_wait3A_143 = arith.constant 0 : i32
    %dma_wait3A_144 = tpu.memref_slice %arg6[%dma_wait3A_133, %dma_wait3A_142, %dma_wait3A_143] : memref<10x128x64xf32, #tpu.memory_space<vmem>> -> memref<1x128x64xf32, #tpu.memory_space<vmem>>
    %dma_wait3A_145 = tpu.memref_squeeze %dma_wait3A_144 : memref<1x128x64xf32, #tpu.memory_space<vmem>> -> memref<128x64xf32, #tpu.memory_space<vmem>>
    tpu.wait_dma2 semaphore(%arg23 : memref<!tpu.dma_semaphore, #tpu.memory_space<semaphore_mem>>) src(%dma_wait3A_145 : memref<128x64xf32, #tpu.memory_space<vmem>>) dst(%dma_wait3A_141 : memref<128x64xf32, #tpu.memory_space<hbm>>)
    %dma_wait3A_146 = arith.constant 7 : i32
    %dma_wait3A_147 = arith.constant 0 : i32
    %dma_wait3A_148 = arith.constant 0 : i32
    %dma_wait3A_149 = tpu.memref_slice %arg6[%dma_wait3A_146, %dma_wait3A_147, %dma_wait3A_148] : memref<10x128x64xf32, #tpu.memory_space<vmem>> -> memref<1x128x64xf32, #tpu.memory_space<vmem>>
    %dma_wait3A_150 = tpu.memref_squeeze %dma_wait3A_149 : memref<1x128x64xf32, #tpu.memory_space<vmem>> -> memref<128x64xf32, #tpu.memory_space<vmem>>
    %dma_wait3A_151 = arith.constant 0 : i32
    %dma_wait3A_152 = tpu.memref_slice %arg4[%mul3A_2, %dma_wait3A_151] : memref<204800x64xf32, #tpu.memory_space<hbm>> -> memref<128x64xf32, #tpu.memory_space<hbm>>
    %dma_wait3A_153 = arith.constant 0 : i32
    %dma_wait3A_154 = tpu.memref_slice %arg4[%mul3A_2, %dma_wait3A_153] : memref<204800x64xf32, #tpu.memory_space<hbm>> -> memref<128x64xf32, #tpu.memory_space<hbm>>
    %dma_wait3A_155 = arith.constant 0 : i32
    %dma_wait3A_156 = arith.constant 0 : i32
    %dma_wait3A_157 = tpu.memref_slice %arg6[%dma_wait3A_146, %dma_wait3A_155, %dma_wait3A_156] : memref<10x128x64xf32, #tpu.memory_space<vmem>> -> memref<1x128x64xf32, #tpu.memory_space<vmem>>
    %dma_wait3A_158 = tpu.memref_squeeze %dma_wait3A_157 : memref<1x128x64xf32, #tpu.memory_space<vmem>> -> memref<128x64xf32, #tpu.memory_space<vmem>>
    tpu.wait_dma2 semaphore(%arg24 : memref<!tpu.dma_semaphore, #tpu.memory_space<semaphore_mem>>) src(%dma_wait3A_158 : memref<128x64xf32, #tpu.memory_space<vmem>>) dst(%dma_wait3A_154 : memref<128x64xf32, #tpu.memory_space<hbm>>)
    %dma_wait3A_159 = arith.constant 8 : i32
    %dma_wait3A_160 = arith.constant 0 : i32
    %dma_wait3A_161 = arith.constant 0 : i32
    %dma_wait3A_162 = tpu.memref_slice %arg6[%dma_wait3A_159, %dma_wait3A_160, %dma_wait3A_161] : memref<10x128x64xf32, #tpu.memory_space<vmem>> -> memref<1x128x64xf32, #tpu.memory_space<vmem>>
    %dma_wait3A_163 = tpu.memref_squeeze %dma_wait3A_162 : memref<1x128x64xf32, #tpu.memory_space<vmem>> -> memref<128x64xf32, #tpu.memory_space<vmem>>
    %dma_wait3A_164 = arith.constant 0 : i32
    %dma_wait3A_165 = tpu.memref_slice %arg4[%mul3A_2, %dma_wait3A_164] : memref<204800x64xf32, #tpu.memory_space<hbm>> -> memref<128x64xf32, #tpu.memory_space<hbm>>
    %dma_wait3A_166 = arith.constant 0 : i32
    %dma_wait3A_167 = tpu.memref_slice %arg4[%mul3A_2, %dma_wait3A_166] : memref<204800x64xf32, #tpu.memory_space<hbm>> -> memref<128x64xf32, #tpu.memory_space<hbm>>
    %dma_wait3A_168 = arith.constant 0 : i32
    %dma_wait3A_169 = arith.constant 0 : i32
    %dma_wait3A_170 = tpu.memref_slice %arg6[%dma_wait3A_159, %dma_wait3A_168, %dma_wait3A_169] : memref<10x128x64xf32, #tpu.memory_space<vmem>> -> memref<1x128x64xf32, #tpu.memory_space<vmem>>
    %dma_wait3A_171 = tpu.memref_squeeze %dma_wait3A_170 : memref<1x128x64xf32, #tpu.memory_space<vmem>> -> memref<128x64xf32, #tpu.memory_space<vmem>>
    tpu.wait_dma2 semaphore(%arg25 : memref<!tpu.dma_semaphore, #tpu.memory_space<semaphore_mem>>) src(%dma_wait3A_171 : memref<128x64xf32, #tpu.memory_space<vmem>>) dst(%dma_wait3A_167 : memref<128x64xf32, #tpu.memory_space<hbm>>)
    %dma_wait3A_172 = arith.constant 9 : i32
    %dma_wait3A_173 = arith.constant 0 : i32
    %dma_wait3A_174 = arith.constant 0 : i32
    %dma_wait3A_175 = tpu.memref_slice %arg6[%dma_wait3A_172, %dma_wait3A_173, %dma_wait3A_174] : memref<10x128x64xf32, #tpu.memory_space<vmem>> -> memref<1x128x64xf32, #tpu.memory_space<vmem>>
    %dma_wait3A_176 = tpu.memref_squeeze %dma_wait3A_175 : memref<1x128x64xf32, #tpu.memory_space<vmem>> -> memref<128x64xf32, #tpu.memory_space<vmem>>
    %dma_wait3A_177 = arith.constant 0 : i32
    %dma_wait3A_178 = tpu.memref_slice %arg4[%mul3A_2, %dma_wait3A_177] : memref<204800x64xf32, #tpu.memory_space<hbm>> -> memref<128x64xf32, #tpu.memory_space<hbm>>
    %dma_wait3A_179 = arith.constant 0 : i32
    %dma_wait3A_180 = tpu.memref_slice %arg4[%mul3A_2, %dma_wait3A_179] : memref<204800x64xf32, #tpu.memory_space<hbm>> -> memref<128x64xf32, #tpu.memory_space<hbm>>
    %dma_wait3A_181 = arith.constant 0 : i32
    %dma_wait3A_182 = arith.constant 0 : i32
    %dma_wait3A_183 = tpu.memref_slice %arg6[%dma_wait3A_172, %dma_wait3A_181, %dma_wait3A_182] : memref<10x128x64xf32, #tpu.memory_space<vmem>> -> memref<1x128x64xf32, #tpu.memory_space<vmem>>
    %dma_wait3A_184 = tpu.memref_squeeze %dma_wait3A_183 : memref<1x128x64xf32, #tpu.memory_space<vmem>> -> memref<128x64xf32, #tpu.memory_space<vmem>>
    tpu.wait_dma2 semaphore(%arg26 : memref<!tpu.dma_semaphore, #tpu.memory_space<semaphore_mem>>) src(%dma_wait3A_184 : memref<128x64xf32, #tpu.memory_space<vmem>>) dst(%dma_wait3A_180 : memref<128x64xf32, #tpu.memory_space<hbm>>)
    return
  }
}

</mosaic_0001>

<sc_bundles>
// kernel: kernel.3.cloned.1.call-start
scs
__scs_entry_jumppad:
0x0: {  	(pc) =	sbr.rel $0x88, $3  }
0x1: {  	(tag) =	ssettag $0x0;
	lr =	simm.s32 $0x1  }
0x2: {  	[smem:$0x3F9F] =	sst lr;
	_ =	strace $0xD0000000  }
0x3: {  	_ = 	snop  }
0x4: {  	_ = 	snop  }
0x5: {  	_ = 	snop  }
0x6: {  	_ = 	snop  }
0x7: {  	_ = 	snop  }
__scs_overlays_trampoline_lowered:
0x8: {  	[smem:$0x3FAE] =	sst s0  }
0x9: {  	[smem:$0x3FAF] =	sst s1  }
0xa: {  	[smem:$0x3FB0] =	sst s2  }
0xb: {  	[smem:$0x3FB1] =	sst s3  }
0xc: {  	[smem:$0x3FB2] =	sst s4  }
0xd: {  	[smem:$0x3FB3] =	sst s5  }
0xe: {  	[smem:$0x3FB4] =	sst s6  }
0xf: {  	[smem:$0x3FB5] =	sst s7  }
0x10: {  	[smem:$0x3FB6] =	sst s8  }
0x11: {  	[smem:$0x3FB7] =	sst s9;
	s0 =	simm.s32 @!p0 $0x0  }
0x12: {  	s1 =	sld [smem:$0x3F9D];
	s0 =	simm.s32 @p0 $0x1  }
0x13: {  	[smem:$0x3FB8] =	sst s0;
	s0 =	simm.s32 @!p1 $0x0  }
0x14: {  	s2 =	sld [smem:$0x3F9C];
	s0 =	simm.s32 @p1 $0x1  }
0x15: {  	[smem:$0x3FB9] =	sst s0;
	s0 =	simm.s32 @!p2 $0x0  }
0x16: {  	s3 =	sld [smem:$0x3FDB];
	s0 =	simm.s32 @p2 $0x1  }
0x17: {  	s4 =	simm.s32 $0x1BF5;
	[smem:$0x3FBB] =	sst s0  }
0x18: {  	s0 =	sld [smem:$0x3F9E];
	_ =	swait.ge [sflag:s4], $0x0  }
0x19: {  	s7 =	sld [smem:$0x3F9F]  }
0x1a: {  	s8 =	sadd.s32 $0xFFFFE003, lr  }
0x1b: {  	s9 =	sadd.s32 $0xFFFFFEF7, lr;
	s5 =	simm.s32 $0xFFFFFFFF;
	p2 =	slt.u32 s8, $0xFFFFF086  }
0x1c: {  	p1 =	slt.u32 s9, $0xF7A;
	s5 =	simm.s32 @!p2 $0x0  }
0x1d: {  	s5 =	simm.s32 @p1 $0x1;
	p0 =	seq.s32 s7, s2  }
0x1e: {  	s7 =	smul.u32 @!p0 $0xF7A, s2;
	p2 =	seq.s32 @!p0 s5, $0x0  }
0x1f: {  	s9 =	smul.u32 $0xF7A, s1;
	s8 =	simm.s32 @!p0 $0x1BF5;
	p2 =	por !p2, p0  }
0x20: {  	[sflag:s8] =	ssyncset.s32 @!p0 $0xFFFFF086;
	s6 =	sadd.s32 @!p0 s3, s7;
	s7 =	simm.s32 @!p0 $0x108  }
0x21: {  	s3 =	sadd.s32 s3, s9;
	s6 =	sadd.s32 @!p0 $0x88, s6;
	s7 =	simm.s32 @p2 $0x1082  }
0x22: {  	[simem:s7], [sflag:s8] =	dma.local @!p0 [hbm:s6], $0xF7A  }
0x23: {  	s9 =	sor.u32 $0xD0000000, s2;
	s6 =	simm.s32 $0x108;
	_ =	swait.ge @!p0 [sflag:s8], $0x0  }
0x24: {  	s3 =	sadd.s32 $0x88, s3;
	s6 =	simm.s32 @!p1 $0x1082;
	[sflag:s4] =	ssyncset.s32 $0xFFFFF086  }
0x25: {  	[simem:s6], [sflag:s4] =	dma.local [hbm:s3], $0xF7A  }
0x26: {  	[smem:$0x3F9F] =	sst s1;
	(tag) =	ssettag s2;
	_ =	strace s9  }
0x27: {  	s1 =	sld [smem:$0x3FAF]  }
0x28: {  	s2 =	sld [smem:$0x3FB0]  }
0x29: {  	s4 =	sld [smem:$0x3FB2]  }
0x2a: {  	p0 =	seq.s32 s5, $0x0;
	s5 =	sld [smem:$0x3FB3]  }
0x2b: {  	s6 =	sld [smem:$0x3FB4]  }
0x2c: {  	s7 =	sld [smem:$0x3FB5]  }
0x2d: {  	s3 =	simm.s32 $0x108;
	s8 =	sld [smem:$0x3FB6]  }
0x2e: {  	s3 =	simm.s32 @!p0 $0x1082;
	s9 =	sld [smem:$0x3FB7]  }
0x2f: {  	lr =	sadd.s32 s0, s3;
	s0 =	sld [smem:$0x3FAE]  }
0x30: {  	s3 =	sld [smem:$0x3FB1]  }
0x31: {  	[smem:$0x3FBA] =	sst s10  }
0x32: {  	s10 =	sld [smem:$0x3FB8];
	_ =	sdelay $0x3  }
0x33: {  	p0 =	seq.s32 s10, $0x1;
	s10 =	sld [smem:$0x3FBA];
	_ =	sdelay $0x3  }
0x34: {  	[smem:$0x3FBA] =	sst s10  }
0x35: {  	s10 =	sld [smem:$0x3FB9];
	_ =	sdelay $0x3  }
0x36: {  	p1 =	seq.s32 s10, $0x1;
	s10 =	sld [smem:$0x3FBA];
	_ =	sdelay $0x3  }
0x37: {  	[smem:$0x3FBA] =	sst s10  }
0x38: {  	s10 =	sld [smem:$0x3FBB]  }
0x39: {  	_ = 	snop;
	(pc) =	sbr.ind lr, $3  }
0x3a: {  	_ = 	snop  }
0x3b: {  	_ = 	snop  }
0x3c: {  	p2 =	seq.s32 s10, $0x1;
	s10 =	sld [smem:$0x3FBA]  }
0x3d: {  	_ =	shalt  }
0x3e: {  	_ =	shalt  }
0x3f: {  	_ =	shalt  }
0x40: {  	_ =	shalt  }
0x41: {  	_ =	shalt  }
0x42: {  	_ =	shalt  }
0x43: {  	_ =	shalt  }
0x44: {  	_ =	shalt  }
0x45: {  	_ =	shalt  }
0x46: {  	_ =	shalt  }
0x47: {  	_ =	shalt  }
0x48: {  	_ =	shalt  }
0x49: {  	_ =	shalt  }
0x4a: {  	_ =	shalt  }
0x4b: {  	_ =	shalt  }
0x4c: {  	_ =	shalt  }
0x4d: {  	_ =	shalt  }
0x4e: {  	_ =	shalt  }
0x4f: {  	_ =	shalt  }
0x50: {  	_ =	shalt  }
0x51: {  	_ =	shalt  }
0x52: {  	_ =	shalt  }
0x53: {  	_ =	shalt  }
0x54: {  	_ =	shalt  }
0x55: {  	_ =	shalt  }
0x56: {  	_ =	shalt  }
0x57: {  	_ =	shalt  }
0x58: {  	_ =	shalt  }
0x59: {  	_ =	shalt  }
0x5a: {  	_ =	shalt  }
0x5b: {  	_ =	shalt  }
0x5c: {  	_ =	shalt  }
0x5d: {  	_ =	shalt  }
0x5e: {  	_ =	shalt  }
0x5f: {  	_ =	shalt  }
0x60: {  	_ =	shalt  }
0x61: {  	_ =	shalt  }
0x62: {  	_ =	shalt  }
0x63: {  	_ =	shalt  }
0x64: {  	_ =	shalt  }
0x65: {  	_ =	shalt  }
0x66: {  	_ =	shalt  }
0x67: {  	_ =	shalt  }
0x68: {  	_ =	shalt  }
0x69: {  	_ =	shalt  }
0x6a: {  	_ =	shalt  }
0x6b: {  	_ =	shalt  }
0x6c: {  	_ =	shalt  }
0x6d: {  	_ =	shalt  }
0x6e: {  	_ =	shalt  }
0x6f: {  	_ =	shalt  }
0x70: {  	_ =	shalt  }
0x71: {  	_ =	shalt  }
0x72: {  	_ =	shalt  }
0x73: {  	_ =	shalt  }
0x74: {  	_ =	shalt  }
0x75: {  	_ =	shalt  }
0x76: {  	_ =	shalt  }
0x77: {  	_ =	shalt  }
0x78: {  	_ =	shalt  }
0x79: {  	_ =	shalt  }
0x7a: {  	_ =	shalt  }
0x7b: {  	_ =	shalt  }
0x7c: {  	_ =	shalt  }
0x7d: {  	_ =	shalt  }
0x7e: {  	_ =	shalt  }
0x7f: {  	_ =	shalt  }
0x80: {  	_ =	shalt  }
0x81: {  	_ =	shalt  }
0x82: {  	_ =	shalt  }
0x83: {  	_ =	shalt  }
0x84: {  	_ =	shalt  }
0x85: {  	_ =	shalt  }
0x86: {  	_ =	shalt  }
0x87: {  	_ =	shalt  }
.Lfunc_end0:
.L_simem_size_0:
called_computation.1_lowered:
.L_overlay_start_0:
0x88: {  	s2 =	sld [smem:$0x3FD9]  }
0x89: {  	s3 =	sld [smem:$0x3FFE];
	_ =	sdelay $0x1  }
0x8a: {  	s1 =	srdreg.scid  }
0x8b: {  	s0 =	sand.u32 $0x1, s1  }
0x8c: {  	s17 =	sshll.u32 s0, $0xA;
	s2 =	sadd.s32 s3, s2  }
0x8d: {  	s2 =	sadd.s32 s2, s17  }
0x8e: {  	[smem:$0x3FC6] =	sst s2  }
0x8f: {  	_ = 	snop  }
0x90: {  	s2 =	sld [smem:$0x3FD0];
	(tm) =	ssettm $0x1  }
0x91: {  	s18 =	sld [smem:$0x3FFB];
	_ =	sdelay $0x3  }
0x92: {  	_ =	strace s18  }
0x93: {  	s3 =	sld [smem:$0x3FFC];
	_ =	sdelay $0x3  }
0x94: {  	_ =	strace s3  }
0x95: {  	s3 =	sld [smem:$0x3FFD];
	_ =	sdelay $0x3  }
0x96: {  	_ =	strace s3  }
0x97: {  	_ =	strace $0x8FFFFFFF  }
0x98: {  	s19 =	sld [smem:$0x3FDB];
	_ =	sdelay $0x1  }
0x99: {  	s4 =	simm.s32 $_scs_section_size  }
0x9a: {  	s5 =	simm.s32 $_size__tile_overlayer_lowered;
	s6 =	simm.s32 $_tile_overlayer_lowered  }
0x9b: {  	s22 =	simm.s32 $0x1BFF;
	s21 =	sshll.u32 s6, $0x1;
	s3 =	sadd.s32 s4, s19  }
0x9c: {  	s7 =	simm.s32 $0x0;
	s20 =	sshll.u32 s5, $0x1;
	s5 =	sadd.s32 s21, s3  }
0x9d: {  	[timem:s7], [sflag:s22] =	dma.local [hbm:s5], s20  }
0x9e: {  	_ =	swait.ge [sflag:s22], s20  }
0x9f: {  	s4 =	ssub.s32 $0x0, s20;
	[sflag:s22] =	ssyncset.done $0x0  }
0xa0: {  	[sflag:s22] =	ssyncadd.s32 s4;
	_ =	sdelay $0x1  }
0xa1: {  	s23 =	simm.s32 $0x1B8B  }
0xa2: {  	_ =	swait.ge [sflag:s23], $0x1  }
0xa3: {  	[sflag:s23] =	ssyncset.done $0x0  }
0xa4: {  	s25 =	simm.s32 $0x1B8E;
	s24 =	sld [smem:$0x3FFE];
	[sflag:s23] =	ssyncadd.s32 $0xFFFFFFFF  }
0xa5: {  	s26 =	simm.s32 $execute0_lowered;
	[smem:$0x3FD2] =	sst s25  }
0xa6: {  	s5 =	sshll.u32 s26, $0x1;
	_ =	strace $0x80000046;
	[dreg:$0x1] =	wrdreg $0xFFFFFFFF  }
0xa7: {  	s28 =	simm.s32 $_size_execute0_lowered;
	s3 =	sadd.s32 s3, s5;
	[dreg:$0x0] =	wrdreg $0x0  }
0xa8: {  	s5 =	sshll.u32 s28, $0x1;
	[dreg:$0x2] =	wrdreg s3  }
0xa9: {  	[dreg:$0x3] =	wrdreg s5  }
0xaa: {  	[dreg:$0x4] =	wrdreg $0xC0  }
0xab: {  	_ =	task [dreg:s7], $0x5FFFF  }
0xac: {  	[dreg:$0x1] =	wrdreg $0xFFFFFFFF  }
0xad: {  	[dreg:$0x0] =	wrdreg $0x60  }
0xae: {  	[dreg:$0x2] =	wrdreg s24  }
0xaf: {  	[dreg:$0x3] =	wrdreg s2  }
0xb0: {  	[dreg:$0x4] =	wrdreg $0x9  }
0xb1: {  	_ =	task.clear_ibuf [dreg:s7], $0x5FFFF;
	_ =	strace $0x90000046  }
0xb2: {  	s29 =	simm.s32 $0x9;
	_ =	strace $0x80000048  }
0xb3: {  	_ =	swait.ge [sflag:s29], $0x1  }
0xb4: {  	[sflag:s29] =	ssyncadd.s32 $0xFFFFFFFF  }
0xb5: {  	_ =	strace $0x90000048  }
0xb6: {  	_ =	sfence  }
0xb7: {  	s30 =	sld [smem:$0x0];
	_ =	sdelay $0x2  }
0xb8: {  	s31 =	sshll.u32 s1, $0xD;
	s1 =	sshrl.u32 s1, $0x2  }
0xb9: {  	s3 =	sand.u32 $0x4000, s31;
	s1 =	sadd.s32 s1, s30  }
0xba: {  	s0 =	sor.u32 s3, s0;
	s1 =	sshll.u32 s1, $0x11  }
0xbb: {  	s0 =	sor.u32 s1, s0  }
0xbc: {  	s0 =	sadd.s32 $0x8F2B, s0  }
0xbd: {  	[sflag:s0] =	ssyncadd.remote.s32 $0x1  }
0xbe: {  	_ =	sfence.sel $0xFFFF  }
0xbf: {  	[dreg:$0x0] =	wrdreg $0xFFFFFFFF;
	(pc) =	sbr.abs _section_cstart, $3  }
0xc0: {  	[dreg:$0x1] =	wrdreg $0xFFFFFFFF  }
0xc1: {  	_ =	task.clear_ibuf [dreg:s7], $0x2FFFF;
	_ =	strace $0x9FFFFFFF  }
0xc2: {  	(tm) =	ssettm $0x7FFFFFFF  }
0xc3: {  	_ =	shalt  }
tec
execute0_lowered:
.L_overlay_start_1:
0x0: {  	(tag) =	ssettag $0x1  }
0x1: {  	s0 =	srdreg.scid  }
0x2: {  	s8 =	stileid.u32;
	s2 =	rddreg [dreg:$0x0];
	s3 =	simm.s32 $0x0  }
0x3: {  	s28 =	simm.s32 $0x1;
	s29 =	simm.s32 $0xB900;
	s30 =	simm.s32 $0x2  }
0x4: {  	s31 =	simm.s32 $0xD900;
	s9 =	simm.s32 $0x0;
	s5 =	smul.u32 $0xC8000, s8  }
0x5: {  	s0 =	sand.u32 $0x1, s0;
	s1 =	sshll.u32 s8, $0x1;
	s20 =	smul.u32 $0x19000, s8  }
0x6: {  	[smem:$0x7FF] =	sst s3;
	s4 =	sadd.s32 $0xF42E00, s2;
	s6 =	smul.u32 $0x64000, s0  }
0x7: {  	s1 =	sor.u32 s0, s1;
	s7 =	ssub.s32 $0x2, s0;
	s0 =	smul.u32 $0xC800, s0  }
0x8: {  	_ =	strace $0x80000047;
	s1 =	smul.u32 $0x1900, s1;
	s16 =	sshrl.u32 s7, $0x1  }
0x9: {  	s5 =	sadd.s32 s6, s5;
	s0 =	sadd.s32 s0, s20;
	s20 =	simm.s32 $0xA  }
0xa: {  	s1 =	sshrl.u32 s1, $0x3;
	s17 =	sadd.s32 $0x8000, s5;
	s18 =	sadd.s32 $0x6000, s5  }
0xb: {  	s19 =	sadd.s32 $0x4000, s5;
	s21 =	sor.u32 $0x2000, s5;
	s22 =	sadd.s32 $0x12000, s5  }
0xc: {  	s6 =	sadd.s32 $0x10000, s5;
	[dreg:$0x9] =	wrdreg s0;
	s24 =	sadd.s32 $0xE000, s5  }
0xd: {  	s25 =	sadd.s32 $0xC000, s5;
	s26 =	sadd.s32 $0xA000, s5;
	s0 =	simm.s32 $0xF900  }
0xe: {  	s5 =	simm.s32 $0x6;
	s1 =	sadd.s32 s1, s2;
	s2 =	ssub.s32 s7, s16  }
0xf: {  	s23 =	sshrl.u32 s22, $0x3;
	s13 =	sshrl.u32 s6, $0x3;
	s14 =	sshrl.u32 s24, $0x3  }
0x10: {  	s15 =	sshrl.u32 s25, $0x3;
	s16 =	sshrl.u32 s26, $0x3;
	s26 =	simm.s32 $0x9900  }
0x11: {  	s25 =	simm.s32 $0x13900;
	s1 =	sadd.s32 $0xA00, s1;
	[dreg:$0xa] =	wrdreg s23  }
0x12: {  	s6 =	simm.s32 $0x7;
	s2 =	smax.u32 s2, $0x1;
	[dreg:$0x3] =	wrdreg s1  }
0x13: {  	s22 =	simm.s32 $0xF;
	s23 =	simm.s32 $0x5;
	[dreg:$0x4] =	wrdreg s2  }
.Ltmp0:
0x14: {  	s1 =	sshrl.u32 s17, $0x3;
	s2 =	simm.s32 $0x4;
	(pc) =	sbr.rel .LBB2_1-.Ltmp0, $4  }
0x15: {  	s17 =	simm.s32 $0x8;
	[dreg:$0x5] =	wrdreg s1;
	s1 =	sshrl.u32 s18, $0x3  }
0x16: {  	s18 =	simm.s32 $0x80;
	[dreg:$0x6] =	wrdreg s1;
	s1 =	sshrl.u32 s19, $0x3  }
0x17: {  	s19 =	simm.s32 $0x9;
	[dreg:$0x7] =	wrdreg s1;
	s1 =	sshrl.u32 s21, $0x3  }
0x18: {  	s21 =	simm.s32 $0x11900;
	[dreg:$0x8] =	wrdreg s1;
	s1 =	simm.s32 $0x3  }
.LBB2_4:
0x19: {  	s7 =	simm.s32 $0xB  }
0x1a: {  	_ =	swait.ge [sflag:s7], $0x2000  }
0x1b: {  	[sflag:s7] =	ssyncset.done $0x0  }
0x1c: {  	s12 =	simm.s32 $0xC;
	[sflag:s7] =	ssyncadd.s32 $0xFFFFE000  }
0x1d: {  	_ =	swait.ge [sflag:s12], $0x2000  }
0x1e: {  	[sflag:s12] =	ssyncset.done $0x0  }
0x1f: {  	s24 =	simm.s32 $0xD;
	[sflag:s12] =	ssyncadd.s32 $0xFFFFE000  }
0x20: {  	_ =	swait.ge [sflag:s24], $0x2000  }
0x21: {  	[sflag:s24] =	ssyncset.done $0x0  }
0x22: {  	s8 =	simm.s32 $0xE;
	[sflag:s24] =	ssyncadd.s32 $0xFFFFE000  }
0x23: {  	_ =	swait.ge [sflag:s8], $0x2000  }
0x24: {  	[sflag:s8] =	ssyncset.done $0x0  }
0x25: {  	[sflag:s8] =	ssyncadd.s32 $0xFFFFE000  }
0x26: {  	_ =	swait.ge [sflag:s22], $0x2000  }
0x27: {  	[sflag:s22] =	ssyncset.done $0x0  }
0x28: {  	s9 =	simm.s32 $0x10;
	[sflag:s22] =	ssyncadd.s32 $0xFFFFE000  }
0x29: {  	_ =	swait.ge [sflag:s9], $0x2000  }
0x2a: {  	[sflag:s9] =	ssyncset.done $0x0  }
0x2b: {  	s10 =	simm.s32 $0x11;
	[sflag:s9] =	ssyncadd.s32 $0xFFFFE000  }
0x2c: {  	_ =	swait.ge [sflag:s10], $0x2000  }
0x2d: {  	[sflag:s10] =	ssyncset.done $0x0  }
0x2e: {  	s11 =	simm.s32 $0x12;
	[sflag:s10] =	ssyncadd.s32 $0xFFFFE000  }
0x2f: {  	_ =	swait.ge [sflag:s11], $0x2000  }
0x30: {  	[sflag:s11] =	ssyncset.done $0x0  }
0x31: {  	s12 =	simm.s32 $0x13;
	[sflag:s11] =	ssyncadd.s32 $0xFFFFE000  }
0x32: {  	_ =	swait.ge [sflag:s12], $0x2000  }
0x33: {  	[sflag:s12] =	ssyncset.done $0x0  }
0x34: {  	s8 =	simm.s32 $0x14;
	[sflag:s12] =	ssyncadd.s32 $0xFFFFE000  }
0x35: {  	_ =	swait.ge [sflag:s8], $0x2000  }
0x36: {  	s9 =	rddreg [dreg:$0xb]  }
0x37: {  	s24 =	rddreg [dreg:$0x4];
	s9 =	sadd.s32 $0x1, s9  }
0x38: {  	p0 =	sne.s32 s9, s24  }
.Ltmp1:
0x39: {  	_ = 	snop;
	(pc) =	sbr.rel @!p0 .LBB2_5-.Ltmp1, $3  }
0x3a: {  	_ =	sdelay $0x1  }
0x3b: {  	[sflag:s8] =	ssyncset.done $0x0  }
0x3c: {  	[sflag:s8] =	ssyncadd.s32 $0xFFFFE000  }
.LBB2_1:
0x3d: {  	[dreg:$0xb] =	wrdreg s9  }
0x3e: {  	s7 =	rddreg [dreg:$0x3];
	s24 =	simm.s32 $0x15  }
0x3f: {  	[tilespmem:s3], [sflag:$0x15] =	stream.linear.gather [hbm4b:s7+s3], $0x1900, $0x38;
	[tilespmem:$0x15900] =	vst v63  }
0x40: {  	_ =	swait.ge [sflag:s24], $0x1900  }
0x41: {  	[sflag:s24] =	ssyncset.done $0x0  }
0x42: {  	s8 =	simm.s32 $0x1900;
	[sflag:s24] =	ssyncadd.s32 $0xFFFFE700  }
0x43: {  	[tilespmem:s8], [sflag:$0x1] =	stream.indirect.gather [hbm4b:s4+s18], $0x40, s3, s18, $0xb8;
	[tilespmem:$0x15900] =	vst v63  }
0x44: {  	s9 =	simm.s32 $0x3900  }
0x45: {  	[tilespmem:s9], [sflag:$0x2] =	stream.indirect.gather [hbm4b:s4+s18], $0x40, s18, s18, $0xb8;
	[tilespmem:$0x15900] =	vst v63  }
0x46: {  	s10 =	simm.s32 $0x100;
	s8 =	simm.s32 $0x5900  }
0x47: {  	[tilespmem:s8], [sflag:$0x3] =	stream.indirect.gather [hbm4b:s4+s18], $0x40, s10, s18, $0xb8;
	[tilespmem:$0x15900] =	vst v63  }
0x48: {  	s11 =	simm.s32 $0x180;
	s12 =	simm.s32 $0x7900  }
0x49: {  	[tilespmem:s12], [sflag:$0x4] =	stream.indirect.gather [hbm4b:s4+s18], $0x40, s11, s18, $0xb8;
	[tilespmem:$0x15900] =	vst v63  }
0x4a: {  	s24 =	simm.s32 $0x200  }
0x4b: {  	[tilespmem:s26], [sflag:$0x5] =	stream.indirect.gather [hbm4b:s4+s18], $0x40, s24, s18, $0xb8;
	[tilespmem:$0x15900] =	vst v63  }
0x4c: {  	s7 =	simm.s32 $0x0;
	s24 =	rddreg [dreg:$0x1]  }
.LBB2_2:
0x4d: {  	_ =	swait.ge [sflag:s28], $0x2000  }
0x4e: {  	s9 =	simm.s32 $0x1900;
	[sflag:s28] =	ssyncset.done $0x0;
	s8 =	rddreg [dreg:$0x9]  }
0x4f: {  	p0 =	seq.s32 s7, $0x0;
	[sflag:s28] =	ssyncadd.s32 $0xFFFFE000;
	s8 =	sadd.s32 s24, s8  }
0x50: {  	[hbm4b:s8+s3] =	stream.linear.scatter [tilespmem:s9], [sflag:$0xB], $0x2000, $0x38;
	[tilespmem:$0x15900] =	vst v63  }
0x51: {  	s9 =	simm.s32 @!p0 $0x10  }
0x52: {  	_ =	swait.ge @!p0 [sflag:s9], $0x2000  }
0x53: {  	s8 =	sshra.s32 s7, $0x2;
	[sflag:s9] =	ssyncset.done @!p0 $0x0  }
0x54: {  	s11 =	sadd.s32 $0x280, s8;
	[sflag:s9] =	ssyncadd.s32 @!p0 $0xFFFFE000  }
0x55: {  	[tilespmem:s29], [sflag:$0x6] =	stream.indirect.gather [hbm4b:s4+s18], $0x40, s11, s18, $0xb8;
	[tilespmem:$0x15900] =	vst v63  }
0x56: {  	_ =	swait.ge [sflag:s30], $0x2000  }
0x57: {  	[sflag:s30] =	ssyncset.done $0x0;
	s12 =	rddreg [dreg:$0x8]  }
0x58: {  	s10 =	simm.s32 $0x3900;
	[sflag:s30] =	ssyncadd.s32 $0xFFFFE000;
	s9 =	sadd.s32 s24, s12  }
0x59: {  	[hbm4b:s9+s3] =	stream.linear.scatter [tilespmem:s10], [sflag:$0xC], $0x2000, $0x38;
	[tilespmem:$0x15900] =	vst v63  }
0x5a: {  	s9 =	simm.s32 @!p0 $0x11  }
0x5b: {  	_ =	swait.ge @!p0 [sflag:s9], $0x2000  }
0x5c: {  	[sflag:s9] =	ssyncset.done @!p0 $0x0  }
0x5d: {  	s10 =	sadd.s32 $0x300, s8;
	[sflag:s9] =	ssyncadd.s32 @!p0 $0xFFFFE000  }
0x5e: {  	[tilespmem:s31], [sflag:$0x7] =	stream.indirect.gather [hbm4b:s4+s18], $0x40, s10, s18, $0xb8;
	[tilespmem:$0x15900] =	vst v63  }
0x5f: {  	_ =	swait.ge [sflag:s1], $0x2000  }
0x60: {  	[sflag:s1] =	ssyncset.done $0x0;
	s11 =	rddreg [dreg:$0x7]  }
0x61: {  	s12 =	simm.s32 $0x5900;
	[sflag:s1] =	ssyncadd.s32 $0xFFFFE000;
	s9 =	sadd.s32 s24, s11  }
0x62: {  	[hbm4b:s9+s3] =	stream.linear.scatter [tilespmem:s12], [sflag:$0xD], $0x2000, $0x38;
	[tilespmem:$0x15900] =	vst v63  }
0x63: {  	s9 =	simm.s32 @!p0 $0x12  }
0x64: {  	_ =	swait.ge @!p0 [sflag:s9], $0x2000  }
0x65: {  	[sflag:s9] =	ssyncset.done @!p0 $0x0  }
0x66: {  	s10 =	sadd.s32 $0x380, s8;
	[sflag:s9] =	ssyncadd.s32 @!p0 $0xFFFFE000  }
0x67: {  	[tilespmem:s0], [sflag:$0x8] =	stream.indirect.gather [hbm4b:s4+s18], $0x40, s10, s18, $0xb8;
	[tilespmem:$0x15900] =	vst v63  }
0x68: {  	_ =	swait.ge [sflag:s2], $0x2000  }
0x69: {  	[sflag:s2] =	ssyncset.done $0x0;
	s11 =	rddreg [dreg:$0x6]  }
0x6a: {  	s12 =	simm.s32 $0x7900;
	[sflag:s2] =	ssyncadd.s32 $0xFFFFE000;
	s9 =	sadd.s32 s24, s11  }
0x6b: {  	[hbm4b:s9+s3] =	stream.linear.scatter [tilespmem:s12], [sflag:$0xE], $0x2000, $0x38;
	[tilespmem:$0x15900] =	vst v63  }
0x6c: {  	s9 =	simm.s32 @!p0 $0x13  }
0x6d: {  	_ =	swait.ge @!p0 [sflag:s9], $0x2000  }
0x6e: {  	[sflag:s9] =	ssyncset.done @!p0 $0x0  }
0x6f: {  	s11 =	sadd.s32 $0x400, s8;
	[sflag:s9] =	ssyncadd.s32 @!p0 $0xFFFFE000  }
0x70: {  	[tilespmem:s21], [sflag:$0x9] =	stream.indirect.gather [hbm4b:s4+s18], $0x40, s11, s18, $0xb8;
	[tilespmem:$0x15900] =	vst v63  }
0x71: {  	_ =	swait.ge [sflag:s23], $0x2000  }
0x72: {  	[sflag:s23] =	ssyncset.done $0x0;
	s12 =	rddreg [dreg:$0x5]  }
0x73: {  	[sflag:s23] =	ssyncadd.s32 $0xFFFFE000;
	s9 =	sadd.s32 s24, s12  }
0x74: {  	[hbm4b:s9+s3] =	stream.linear.scatter [tilespmem:s26], [sflag:$0xF], $0x2000, $0x38;
	[tilespmem:$0x15900] =	vst v63  }
0x75: {  	s9 =	simm.s32 @!p0 $0x14  }
0x76: {  	_ =	swait.ge @!p0 [sflag:s9], $0x2000  }
0x77: {  	[sflag:s9] =	ssyncset.done @!p0 $0x0  }
0x78: {  	s10 =	sadd.s32 $0x480, s8;
	[sflag:s9] =	ssyncadd.s32 @!p0 $0xFFFFE000  }
0x79: {  	[tilespmem:s25], [sflag:$0xA] =	stream.indirect.gather [hbm4b:s4+s18], $0x40, s10, s18, $0xb8;
	[tilespmem:$0x15900] =	vst v63  }
0x7a: {  	_ =	swait.ge [sflag:s5], $0x2000  }
0x7b: {  	p0 =	seq.s32 s7, $0x5000;
	[sflag:s5] =	ssyncset.done $0x0  }
0x7c: {  	s11 =	sadd.s32 s24, s16;
	s9 =	simm.s32 @!p0 $0xB;
	[sflag:s5] =	ssyncadd.s32 $0xFFFFE000  }
0x7d: {  	[hbm4b:s11+s3] =	stream.linear.scatter [tilespmem:s29], [sflag:$0x10], $0x2000, $0x38;
	[tilespmem:$0x15900] =	vst v63  }
0x7e: {  	_ =	swait.ge @!p0 [sflag:s9], $0x2000  }
0x7f: {  	[sflag:s9] =	ssyncset.done @!p0 $0x0  }
0x80: {  	[sflag:s9] =	ssyncadd.s32 @!p0 $0xFFFFE000;
	s9 =	sshra.s32 @!p0 s7, $0x2  }
0x81: {  	s12 =	simm.s32 @!p0 $0x1900;
	s11 =	simm.s32 @!p0 $0x80;
	s10 =	sadd.s32 @!p0 $0x500, s9  }
0x82: {  	[tilespmem:s12], [sflag:$0x1] =	stream.indirect.gather @!p0 [hbm4b:s4+s11], $0x40, s10, s11, $0xb8;
	[tilespmem:$0x15900] =	vst v63  }
0x83: {  	_ =	swait.ge [sflag:s6], $0x2000  }
0x84: {  	[sflag:s6] =	ssyncset.done $0x0  }
0x85: {  	s12 =	sadd.s32 s24, s15;
	s10 =	simm.s32 @!p0 $0xC;
	[sflag:s6] =	ssyncadd.s32 $0xFFFFE000  }
0x86: {  	[hbm4b:s12+s3] =	stream.linear.scatter [tilespmem:s31], [sflag:$0x11], $0x2000, $0x38;
	[tilespmem:$0x15900] =	vst v63  }
0x87: {  	_ =	swait.ge @!p0 [sflag:s10], $0x2000  }
0x88: {  	[sflag:s10] =	ssyncset.done @!p0 $0x0  }
0x89: {  	s12 =	simm.s32 @!p0 $0x3900;
	[sflag:s10] =	ssyncadd.s32 @!p0 $0xFFFFE000;
	s10 =	sadd.s32 @!p0 $0x580, s9  }
0x8a: {  	[tilespmem:s12], [sflag:$0x2] =	stream.indirect.gather @!p0 [hbm4b:s4+s11], $0x40, s10, s11, $0xb8;
	[tilespmem:$0x15900] =	vst v63  }
0x8b: {  	_ =	swait.ge [sflag:s17], $0x2000  }
0x8c: {  	[sflag:s17] =	ssyncset.done $0x0  }
0x8d: {  	s12 =	sadd.s32 s24, s14;
	s10 =	simm.s32 @!p0 $0xD;
	[sflag:s17] =	ssyncadd.s32 $0xFFFFE000  }
0x8e: {  	[hbm4b:s12+s3] =	stream.linear.scatter [tilespmem:s0], [sflag:$0x12], $0x2000, $0x38;
	[tilespmem:$0x15900] =	vst v63  }
0x8f: {  	_ =	swait.ge @!p0 [sflag:s10], $0x2000  }
0x90: {  	[sflag:s10] =	ssyncset.done @!p0 $0x0  }
0x91: {  	s12 =	simm.s32 @!p0 $0x5900;
	[sflag:s10] =	ssyncadd.s32 @!p0 $0xFFFFE000;
	s10 =	sadd.s32 @!p0 $0x600, s9  }
0x92: {  	[tilespmem:s12], [sflag:$0x3] =	stream.indirect.gather @!p0 [hbm4b:s4+s11], $0x40, s10, s11, $0xb8;
	[tilespmem:$0x15900] =	vst v63  }
0x93: {  	_ =	swait.ge [sflag:s19], $0x2000  }
0x94: {  	[sflag:s19] =	ssyncset.done $0x0  }
0x95: {  	s12 =	sadd.s32 s24, s13;
	s10 =	simm.s32 @!p0 $0xE;
	[sflag:s19] =	ssyncadd.s32 $0xFFFFE000  }
0x96: {  	[hbm4b:s12+s3] =	stream.linear.scatter [tilespmem:s21], [sflag:$0x13], $0x2000, $0x38;
	[tilespmem:$0x15900] =	vst v63  }
0x97: {  	_ =	swait.ge @!p0 [sflag:s10], $0x2000  }
0x98: {  	[sflag:s10] =	ssyncset.done @!p0 $0x0  }
0x99: {  	s9 =	sadd.s32 @!p0 $0x680, s9;
	[sflag:s10] =	ssyncadd.s32 @!p0 $0xFFFFE000;
	s10 =	simm.s32 @!p0 $0x7900  }
0x9a: {  	[tilespmem:s10], [sflag:$0x4] =	stream.indirect.gather @!p0 [hbm4b:s4+s11], $0x40, s9, s11, $0xb8;
	[tilespmem:$0x15900] =	vst v63  }
.Ltmp2:
0x9b: {  	_ = 	snop;
	(pc) =	sbr.rel @p0 .LBB2_4-.Ltmp2, $4  }
0x9c: {  	_ =	swait.ge [sflag:s20], $0x2000  }
0x9d: {  	[sflag:s20] =	ssyncset.done $0x0;
	s12 =	rddreg [dreg:$0xa]  }
0x9e: {  	[sflag:s20] =	ssyncadd.s32 $0xFFFFE000;
	s9 =	sadd.s32 s24, s12  }
0x9f: {  	[hbm4b:s9+s3] =	stream.linear.scatter [tilespmem:s25], [sflag:$0x14], $0x2000, $0x38;
	[tilespmem:$0x15900] =	vst v63  }
.Ltmp3:
0xa0: {  	(pc) =	sbr.rel .LBB2_2-.Ltmp3, $4  }
0xa1: {  	_ =	swait.ge [sflag:s22], $0x2000  }
0xa2: {  	s8 =	sadd.s32 $0x700, s8;
	[sflag:s22] =	ssyncset.done $0x0  }
0xa3: {  	s7 =	sadd.s32 $0x1400, s7;
	s24 =	sadd.s32 $0x2800, s24;
	[sflag:s22] =	ssyncadd.s32 $0xFFFFE000  }
0xa4: {  	[tilespmem:s26], [sflag:$0x5] =	stream.indirect.gather [hbm4b:s4+s18], $0x40, s8, s18, $0xb8;
	[tilespmem:$0x15900] =	vst v63  }
.LBB2_5:
0xa5: {  	_ =	sfence.sel $0x180000  }
0xa6: {  	[bflag:$0x0] =	sbarrier.arrive $0xFFFF  }
0xa7: {  	_ =	strace $0x90000047  }
0xa8: {  	s0 =	stileid.u32;
	[bflag:$0x2] =	sbarrier.arrive $0xFFFF  }
0xa9: {  	p0 =	sne.s32 s0, $0x0;
	s0 =	rddreg [dreg:$0x2]  }
0xaa: {  	s0 =	sadd.s32 @!p0 $0x100000, s0  }
0xab: {  	[sflag:s0] =	ssyncadd.tile.s32 @!p0 $0x1;
	_ =	shalt  }
.Lfunc_end2:
_tile_overlayer_lowered:
.L_overlay_start_2:
0xac: {  	(tag) =	ssettag $0x2  }
0xad: {  	s0 =	rddreg [dreg:$0x0];
	s2 =	stileid.u32  }
0xae: {  	s1 =	rddreg [dreg:$0x1];
	p0 =	sne.s32 s2, $0x0  }
0xaf: {  	s3 =	rddreg [dreg:$0x2];
	[bflag:$0x3] =	sbarrier.arrive $0xFFFF;
	s2 =	simm.s32 @!p0 $0x1C15  }
0xb0: {  	[timem:s3], [sflag:s2] =	dma.local @!p0 [hbm:s0], s1  }
0xb1: {  	s0 =	simm.s32 @!p0 $0x15  }
0xb2: {  	_ =	swait.ge @!p0 [sflag:s0], s1  }
0xb3: {  	s1 =	ssub.s32 @!p0 $0x0, s1;
	[sflag:s0] =	ssyncset.done @!p0 $0x0  }
0xb4: {  	[sflag:s0] =	ssyncadd.s32 @!p0 s1  }
0xb5: {  	[bflag:$0x3] =	sbarrier.arrive $0xFFFF  }
0xb6: {  	_ =	shalt  }

// kernel: sparse-core-data-format-call.cloned.1.call-start
scs
called_computation_lowered:
.L_overlay_start_0:
0x0: {  	s2 =	sld [smem:$0x3FD9]  }
0x1: {  	s3 =	sld [smem:$0x3FFE];
	_ =	sdelay $0x1  }
0x2: {  	s1 =	srdreg.scid  }
0x3: {  	s0 =	sand.u32 $0x1, s1  }
0x4: {  	s18 =	sshll.u32 s0, $0xA;
	s2 =	sadd.s32 s3, s2  }
0x5: {  	s2 =	sadd.s32 s2, s18  }
0x6: {  	[smem:$0x3FC6] =	sst s2  }
0x7: {  	_ = 	snop  }
0x8: {  	s2 =	sld [smem:$0x3FD0];
	(tm) =	ssettm $0x1  }
0x9: {  	s19 =	sld [smem:$0x3FFB];
	_ =	sdelay $0x3  }
0xa: {  	_ =	strace s19  }
0xb: {  	s3 =	sld [smem:$0x3FFC];
	_ =	sdelay $0x3  }
0xc: {  	_ =	strace s3  }
0xd: {  	s3 =	sld [smem:$0x3FFD];
	_ =	sdelay $0x3  }
0xe: {  	_ =	strace s3  }
0xf: {  	_ =	strace $0x8FFFFFFF  }
0x10: {  	s20 =	sld [smem:$0x3FDB];
	_ =	sdelay $0x1  }
0x11: {  	s4 =	simm.s32 $_scs_section_size  }
0x12: {  	s5 =	simm.s32 $_size__tile_overlayer_lowered;
	s6 =	simm.s32 $_tile_overlayer_lowered  }
0x13: {  	s23 =	simm.s32 $0x1BFF;
	s22 =	sshll.u32 s6, $0x1;
	s3 =	sadd.s32 s4, s20  }
0x14: {  	s7 =	simm.s32 $0x0;
	s21 =	sshll.u32 s5, $0x1;
	s5 =	sadd.s32 s22, s3  }
0x15: {  	[timem:s7], [sflag:s23] =	dma.local [hbm:s5], s21  }
0x16: {  	_ =	swait.ge [sflag:s23], s21  }
0x17: {  	s4 =	ssub.s32 $0x0, s21;
	[sflag:s23] =	ssyncset.done $0x0  }
0x18: {  	[sflag:s23] =	ssyncadd.s32 s4;
	_ =	sdelay $0x1  }
0x19: {  	s24 =	simm.s32 $0x1B8B  }
0x1a: {  	_ =	swait.ge [sflag:s24], $0x1  }
0x1b: {  	[sflag:s24] =	ssyncset.done $0x0  }
0x1c: {  	s26 =	simm.s32 $0x1B8E;
	s25 =	sld [smem:$0x3FFE];
	[sflag:s24] =	ssyncadd.s32 $0xFFFFFFFF  }
0x1d: {  	s27 =	simm.s32 $execute0_lowered;
	[smem:$0x3FD2] =	sst s26  }
0x1e: {  	s5 =	sshll.u32 s27, $0x1;
	_ =	strace $0x80000049;
	[dreg:$0x1] =	wrdreg $0xFFFFFFFF  }
0x1f: {  	s28 =	simm.s32 $_size_execute0_lowered;
	s3 =	sadd.s32 s3, s5;
	[dreg:$0x0] =	wrdreg $0x0  }
0x20: {  	s5 =	sshll.u32 s28, $0x1;
	[dreg:$0x2] =	wrdreg s3  }
0x21: {  	[dreg:$0x3] =	wrdreg s5  }
0x22: {  	[dreg:$0x4] =	wrdreg $0xC0  }
0x23: {  	_ =	task [dreg:s7], $0x5FFFF  }
0x24: {  	[dreg:$0x1] =	wrdreg $0xFFFFFFFF  }
0x25: {  	[dreg:$0x0] =	wrdreg $0x60  }
0x26: {  	[dreg:$0x2] =	wrdreg s25  }
0x27: {  	[dreg:$0x3] =	wrdreg s2  }
0x28: {  	[dreg:$0x4] =	wrdreg $0x9  }
0x29: {  	_ =	task.clear_ibuf [dreg:s7], $0x5FFFF;
	_ =	strace $0x90000049  }
0x2a: {  	s29 =	simm.s32 $0x9;
	_ =	strace $0x8000004B  }
0x2b: {  	_ =	swait.ge [sflag:s29], $0x1  }
0x2c: {  	[sflag:s29] =	ssyncadd.s32 $0xFFFFFFFF  }
0x2d: {  	_ =	strace $0x9000004B  }
0x2e: {  	_ =	sfence  }
0x2f: {  	s30 =	sld [smem:$0x0];
	_ =	sdelay $0x2  }
0x30: {  	s31 =	sshll.u32 s1, $0xD;
	s1 =	sshrl.u32 s1, $0x2  }
0x31: {  	s3 =	sand.u32 $0x4000, s31;
	s1 =	sadd.s32 s1, s30  }
0x32: {  	s0 =	sor.u32 s3, s0;
	s1 =	sshll.u32 s1, $0x11  }
0x33: {  	s0 =	sor.u32 s1, s0  }
0x34: {  	s0 =	sadd.s32 $0x8F2B, s0  }
0x35: {  	[sflag:s0] =	ssyncadd.remote.s32 $0x1  }
0x36: {  	_ =	sfence.sel $0xFFFF  }
0x37: {  	[dreg:$0x0] =	wrdreg $0xFFFFFFFF;
	(pc) =	sbr.abs _section_cstart, $3  }
0x38: {  	[dreg:$0x1] =	wrdreg $0xFFFFFFFF  }
0x39: {  	_ =	task.clear_ibuf [dreg:s7], $0x2FFFF;
	_ =	strace $0x9FFFFFFF  }
0x3a: {  	(tm) =	ssettm $0x7FFFFFFF  }
0x3b: {  	_ =	shalt  }
tec
execute0_lowered:
.L_overlay_start_1:
0x0: {  	(tag) =	ssettag $0x1  }
0x1: {  	s0 =	srdreg.scid  }
0x2: {  	s1 =	sshll.u32 s0, $0x4  }
0x3: {  	s0 =	stileid.u32;
	s1 =	sand.u32 $0x10, s1  }
0x4: {  	s1 =	sor.u32 s0, s1  }
0x5: {  	s6 =	rddreg [dreg:$0x0];
	s4 =	simm.s32 $0x1;
	s2 =	sshll.u32 s1, $0x7  }
0x6: {  	s7 =	simm.s32 $0x2;
	s12 =	simm.s32 $0x0;
	s1 =	ssub.s32 $0x1000, s2  }
0x7: {  	s8 =	simm.s32 $0x8000;
	s13 =	simm.s32 $0x0;
	s3 =	sand.u32 $0xF80, s1  }
0x8: {  	s9 =	simm.s32 $0x0;
	s5 =	sshrl.u32 s1, $0xC;
	p0 =	sne.s32 s3, $0x0  }
.Ltmp0:
0x9: {  	s1 =	rddreg [dreg:$0x2];
	s4 =	simm.s32 @!p0 $0x0;
	(pc) =	sbr.rel .LBB1_1-.Ltmp0, $4  }
0xa: {  	s11 =	simm.s32 $0x0;
	s3 =	rddreg [dreg:$0x1];
	s5 =	sadd.s32 s4, s5  }
0xb: {  	_ =	strace $0x8000004A;
	s4 =	simm.s32 $0x1;
	s5 =	smul.u32 $0x32, s5  }
0xc: {  	s6 =	sadd.s32 $0xA00, s6;
	s10 =	smov.u32 s2;
	[sflag:s4] =	ssyncpa.u1 $0x0  }
0xd: {  	p0 =	por $0x0, $0x0;
	[sflag:s7] =	ssyncpa.u1 $0x0;
	s7 =	sor.u32 $0x1, s5  }
.LBB1_4:
0xe: {  	s16 =	sshll.u32 s13, $0x3;
	s17 =	sand.u32 $0x78, s13  }
0xf: {  	s30 =	sand.u32 $0x7E00, s13;
	s12 =	sshll.u32 s12, $0xF;
	s16 =	sand.u32 $0xC00, s16  }
0x10: {  	[tilespmem:s15+$0x810 ss:$0x81] =	vst.msk $0xffff, v2;
	s31 =	sand.u32 $0x7, s13;
	s16 =	sor.u32 s17, s16;
	s17 =	sadd.s32 s3, s30  }
0x11: {  	[tilespmem:s15+$0x1020 ss:$0x81] =	vst.msk $0xffff, v0;
	s13 =	sshll.u32 s31, $0x12;
	s12 =	sadd.s32 s12, s17;
	s16 =	sshrl.u32 s16, $0x3  }
0x12: {  	[tilespmem:s15+$0x0 ss:$0x81] =	vst.msk $0xffff, v1;
	s13 =	sor.u32 $0x400, s13;
	s12 =	sadd.s32 s16, s12  }
0x13: {  	[hbm4b:s12+s13] =	stream.strided.scatter [tilespmem:s14], [sflag:$0x2], $0x2000, s8, s13, $0x20;
	[tilespmem:$0x8080] =	vst v63  }
.LBB1_5:
0x14: {  	s14 =	sadd.s32 $0x1, s9  }
0x15: {  	s12 =	sadd.s32 $0x1000, s10;
	s16 =	smov.u32 s10;
	p2 =	sgt.s32 s14, $0x31  }
0x16: {  	s16 =	smov.u32 @p2 s12  }
0x17: {  	s14 =	simm.s32 @p2 $0x0;
	p2 =	sgt.s32 s16, $0xFFF  }
0x18: {  	s16 =	smov.u32 @p2 s2;
	p2 =	sne.s32 s11, s7  }
.Ltmp1:
0x19: {  	p1 =	slt.u32 s11, $0x2;
	(pc) =	sbr.rel @!p2 .LBB1_6-.Ltmp1, $4  }
0x1a: {  	s15 =	simm.s32 @!p1 $0x2  }
0x1b: {  	s13 =	smov.u32 s10;
	p0 =	por !p0, !p0;
	_ =	swait.ge @!p1 [sflag:s15], $0x2000  }
0x1c: {  	s12 =	smov.u32 s9;
	[sflag:s15] =	ssyncset.done @!p1 $0x0;
	s9 =	smov.u32 s14  }
0x1d: {  	s11 =	sadd.s32 $0x1, s11;
	[sflag:s15] =	ssyncadd.s32 @!p1 $0xFFFFE000;
	s10 =	smov.u32 s16  }
.LBB1_1:
0x1e: {  	p1 =	sge.u32 s11, s5  }
0x1f: {  	s14 =	sand.u32 @!p1 $0x1FFFFFF, s9  }
0x20: {  	s15 =	smulhi.u32 @!p1 $0x4924925, s14;
	_ =	sdelay $0x1  }
0x21: {  	s15 =	smul.u32 @!p1 $0x38, s15  }
0x22: {  	s16 =	sxor.u32 @!p1 $0xFFFFFFFF, s11;
	s17 =	smul.u32 @!p1 $0x380, s10  }
0x23: {  	s31 =	sadd.s32 $0xFFFFFFFF, s11;
	s16 =	sshll.u32 @!p1 s16, $0xD;
	s14 =	ssub.s32 @!p1 s14, s15  }
0x24: {  	s15 =	sand.u32 @!p1 $0x2000, s16;
	s16 =	sadd.s32 @!p1 s6, s17;
	s14 =	sshll.u32 @!p1 s14, $0x4  }
0x25: {  	s17 =	simm.s32 @!p1 $0x1C00;
	s14 =	sadd.s32 @!p1 s14, s16;
	s16 =	simm.s32 @!p1 $0x40  }
0x26: {  	[tilespmem:s15], [sflag:$0x1] =	stream.strided.gather @!p1 [hbm4b:s14+s16], $0x2000, s17, s16, $0x38;
	[tilespmem:$0x8080] =	vst v63  }
0x27: {  	p1 =	sge.u32 s31, s5  }
.Ltmp2:
0x28: {  	_ = 	snop;
	(pc) =	sbr.rel @p1 .LBB1_5-.Ltmp2, $1  }
0x29: {  	_ =	sdelay $0x3  }
0x2a: {  	s14 =	simm.s32 $0x1  }
0x2b: {  	_ =	swait.ge [sflag:s4], $0x2000;
	s14 =	simm.s32 @!p0 $0x0  }
0x2c: {  	[sflag:s4] =	ssyncset.done $0x0;
	s15 =	sshll.u32 s14, $0xD  }
0x2d: {  	[sflag:s4] =	ssyncadd.s32 $0xFFFFE000;
	s18 =	sor.u32 $0x20, s15  }
0x2e: {  	s14 =	smul.u32 $0x8100, s14;
	v3 =	vld [tilespmem:s18+$0x10]  }
0x2f: {  	s30 =	sand.u32 $0x1, s11;
	v2 =	vld [tilespmem:s18+$0xFFFFFFF0]  }
0x30: {  	s15 =	smul.u32 $0x8100, s30;
	s14 =	sshrl.u32 s14, $0x2;
	v0 =	vld [tilespmem:s18+$0x0]  }
0x31: {  	v1 =	vld [tilespmem:s18+$0xFFFFFFE0];
	s16 =	sor.u32 $0x4000, s14  }
0x32: {  	s31 =	sshrl.u32 s15, $0x2;
	s15 =	sadd.s32 $0x0, s16  }
0x33: {  	s17 =	simm.s32 $0x4;
	s18 =	sadd.s32 $0x40, s18;
	s14 =	sor.u32 $0x4000, s31;
	[tilespmem:s15+$0x1830 ss:$0x81] =	vst.msk $0xffff, v3  }
.LBB1_3:
0x34: {  	v3 =	vld [tilespmem:s18+$0x10];
	p1 =	sne.s32 s17, $0x1FC;
	[tilespmem:s15+$0x810 ss:$0x81] =	vst.msk $0xffff, v2;
	s19 =	smov.u32 s17;
	s17 =	sadd.s32 $0x4, s17  }
.Ltmp3:
0x35: {  	v2 =	vld [tilespmem:s18+$0xFFFFFFF0];
	[tilespmem:s15+$0x1020 ss:$0x81] =	vst.msk $0xffff, v0;
	(pc) =	sbr.rel @p1 .LBB1_3-.Ltmp3, $4  }
0x36: {  	v0 =	vld [tilespmem:s18+$0x0];
	[tilespmem:s15+$0x0 ss:$0x81] =	vst.msk $0xffff, v1  }
0x37: {  	s15 =	sshra.s32 s19, $0x2;
	v1 =	vld [tilespmem:s18+$0xFFFFFFE0]  }
0x38: {  	s15 =	sadd.s32 s15, s16  }
0x39: {  	s18 =	sadd.s32 $0x40, s18;
	[tilespmem:s15+$0x1830 ss:$0x81] =	vst.msk $0xffff, v3  }
.Ltmp4:
0x3a: {  	_ = 	snop;
	(pc) =	sbr.rel .LBB1_4-.Ltmp4, $1  }
0x3b: {  	_ =	sdelay $0x3  }
.LBB1_6:
0x3c: {  	_ =	sfence.sel $0x180000  }
0x3d: {  	s2 =	simm.s32 $0x1;
	[bflag:$0x0] =	sbarrier.arrive $0xFFFF  }
0x3e: {  	s31 =	simm.s32 $0x2;
	[sflag:s2] =	ssyncpa.u1 $0x1  }
0x3f: {  	[sflag:s31] =	ssyncpa.u1 $0x1  }
0x40: {  	p0 =	sne.s32 s0, $0x0;
	_ =	strace $0x9000004A  }
0x41: {  	s0 =	sadd.s32 @!p0 $0x100000, s1;
	[bflag:$0x2] =	sbarrier.arrive $0xFFFF  }
0x42: {  	[sflag:s0] =	ssyncadd.tile.s32 @!p0 $0x1;
	_ =	shalt  }
.Lfunc_end1:
_tile_overlayer_lowered:
.L_overlay_start_2:
0x43: {  	(tag) =	ssettag $0x2  }
0x44: {  	s0 =	rddreg [dreg:$0x0];
	s2 =	stileid.u32  }
0x45: {  	s1 =	rddreg [dreg:$0x1];
	p0 =	sne.s32 s2, $0x0  }
0x46: {  	s3 =	rddreg [dreg:$0x2];
	[bflag:$0x3] =	sbarrier.arrive $0xFFFF;
	s2 =	simm.s32 @!p0 $0x1C01  }
0x47: {  	[timem:s3], [sflag:s2] =	dma.local @!p0 [hbm:s0], s1  }
0x48: {  	s0 =	simm.s32 @!p0 $0x1  }
0x49: {  	_ =	swait.ge @!p0 [sflag:s0], s1  }
0x4a: {  	s1 =	ssub.s32 @!p0 $0x0, s1;
	[sflag:s0] =	ssyncset.done @!p0 $0x0  }
0x4b: {  	[sflag:s0] =	ssyncadd.s32 @!p0 s1  }
0x4c: {  	[bflag:$0x3] =	sbarrier.arrive $0xFFFF  }
0x4d: {  	_ =	shalt  }

</sc_bundles>
